<compile_context>
chip_gen: v7x
topology: tpu7x:2x2x1
jax: 0.10.2.dev20260603
libtpu: 0.0.44.dev20260713+nightly
codegen_flags: <defaults>
</compile_context>

<pallas_src>
import jax
import jax.numpy as jnp
from jax import lax
from jax.experimental import pallas as pl
from jax.experimental.pallas import tpu as pltpu
from jax.experimental.pallas import tpu_sc as plsc

TOTAL = 819200
B = 4096
V = 1000000
D = 64

NC = 2
NS = 16
NW = NC * NS
BAGS_PER_W = B // NW
CHUNK = 512
ROWS_PER_CHUNK = CHUNK // 128


def _sc_body(ids2d, offp, weight, out, idx_v, rows_v, acc_v, off_v, sem0,
             sem1):
    c = lax.axis_index("c")
    s = lax.axis_index("s")
    w = s * NC + c
    nbag = BAGS_PER_W

    obase = pl.multiple_of(w * nbag, 8)
    pltpu.sync_copy(offp.at[pl.ds(obase, nbag + 8)],
                    off_v.at[pl.ds(0, nbag + 8)])

    def _off(i):
        return off_v[pl.ds(i, 16)][0]

    zeros16 = jnp.zeros((16,), jnp.float32)
    def _zero(i, _):
        for j in range(4):
            acc_v[i, pl.ds(j * 16, 16)] = zeros16
        return 0
    lax.fori_loop(0, nbag, _zero, 0)

    tok_start = _off(0)
    tok_end = _off(nbag)
    row0 = tok_start // 128
    cbase = row0 * 128
    nch = lax.max(0, (tok_end - cbase + CHUNK - 1) // CHUNK)

    sems = (sem0, sem1)

    def load_ids(kc, p):
        pltpu.sync_copy(ids2d.at[pl.ds(row0 + kc * ROWS_PER_CHUNK,
                                       ROWS_PER_CHUNK)], idx_v.at[p])

    def chunk_cps(p):
        return [pltpu.make_async_copy(weight.at[idx_v.at[p, j]],
                                      rows_v.at[p, pl.ds(j * 128, 128)],
                                      sems[p])
                for j in range(ROWS_PER_CHUNK)]

    def fire(p):
        for cp in chunk_cps(p):
            cp.start()

    def drain(p):
        for cp in chunk_cps(p):
            cp.wait()

    load_ids(jnp.int32(0), 0)
    fire(0)
    load_ids(jnp.int32(1), 1)
    fire(1)
    drain(0)

    def step(_, carry):
        k, lb = carry
        p = k & 1
        lo = cbase + k * CHUNK
        chi = lax.min(lo + CHUNK, tok_end)
        sb = _off(lb)
        eb = _off(lb + 1)
        a = lax.max(sb, lo) - lo
        e = lax.min(eb, chi) - lo
        a0 = acc_v[lb, pl.ds(0, 16)]
        a1 = acc_v[lb, pl.ds(16, 16)]
        a2 = acc_v[lb, pl.ds(32, 16)]
        a3 = acc_v[lb, pl.ds(48, 16)]

        @plsc.parallel_loop(a, e, unroll=4, carry=(a0, a1, a2, a3))
        def tok(t, accs):
            b0, b1, b2, b3 = accs
            b0 = b0 + rows_v[p, t, pl.ds(0, 16)]
            b1 = b1 + rows_v[p, t, pl.ds(16, 16)]
            b2 = b2 + rows_v[p, t, pl.ds(32, 16)]
            b3 = b3 + rows_v[p, t, pl.ds(48, 16)]
            return b0, b1, b2, b3

        a0, a1, a2, a3 = tok
        acc_v[lb, pl.ds(0, 16)] = a0
        acc_v[lb, pl.ds(16, 16)] = a1
        acc_v[lb, pl.ds(32, 16)] = a2
        acc_v[lb, pl.ds(48, 16)] = a3
        finished = eb <= chi
        adv = jnp.logical_and(jnp.logical_not(finished), k + 1 < nch)

        @pl.when(jnp.logical_and(adv, p == 0))
        def _advance_even():
            load_ids(k + 2, 0)
            fire(0)
            drain(1)

        @pl.when(jnp.logical_and(adv, p == 1))
        def _advance_odd():
            load_ids(k + 2, 1)
            fire(1)
            drain(0)

        k_next = jnp.where(finished, k, k + 1)
        lb_next = jnp.where(finished, lb + 1, lb)
        return k_next, lb_next

    n_steps = nbag + lax.max(nch - 1, 0)
    lax.fori_loop(0, n_steps, step, (jnp.int32(0), jnp.int32(0)))

    pmax = lax.max(nch, 1) & 1

    @pl.when(pmax == 0)
    def _drain_even():
        drain(0)

    @pl.when(pmax == 1)
    def _drain_odd():
        drain(1)

    lane = lax.iota(jnp.int32, 16)
    perms = [lane ^ bit for bit in (1, 2, 4, 8)]

    def _rsqrt(v):
        y = lax.bitcast_convert_type(
            jnp.full((16,), 0x5F3759DF, jnp.int32)
            - (lax.bitcast_convert_type(v, jnp.int32) >> 1),
            jnp.float32)
        for _it in range(3):
            y = y * (1.5 - 0.5 * v * y * y)
        return y

    def norm_body(i, _):
        cnt = lax.max(_off(i + 1) - _off(i), 1)
        cntv = jnp.full((16,), 1.0, jnp.float32) * cnt.astype(jnp.float32)
        rc = _rsqrt(cntv)
        minv = rc * rc
        a0 = acc_v[i, pl.ds(0, 16)]
        a1 = acc_v[i, pl.ds(16, 16)]
        a2 = acc_v[i, pl.ds(32, 16)]
        a3 = acc_v[i, pl.ds(48, 16)]
        sq = a0 * a0 + a1 * a1 + a2 * a2 + a3 * a3
        for p in perms:
            _, shuf = plsc.sort_key_val(p, sq)
            sq = sq + shuf
        y = _rsqrt(sq)
        mnorm2 = sq * minv * minv
        factor = jnp.where(mnorm2 > 1e-24, y, minv * 1e12)
        acc_v[i, pl.ds(0, 16)] = a0 * factor
        acc_v[i, pl.ds(16, 16)] = a1 * factor
        acc_v[i, pl.ds(32, 16)] = a2 * factor
        acc_v[i, pl.ds(48, 16)] = a3 * factor
        return 0
    lax.fori_loop(0, nbag, norm_body, 0)

    pltpu.sync_copy(acc_v, out.at[pl.ds(w * nbag, nbag)])


@jax.jit
def _run(ids2d, offp, weight):
    mesh = plsc.VectorSubcoreMesh(core_axis_name="c", subcore_axis_name="s")
    kfn = pl.kernel(
        _sc_body,
        out_type=jax.ShapeDtypeStruct((B, D), jnp.float32),
        mesh=mesh,
        scratch_types=[
            pltpu.VMEM((2, ROWS_PER_CHUNK, 128), jnp.int32),
            pltpu.VMEM((2, CHUNK, D), jnp.float32),
            pltpu.VMEM((BAGS_PER_W, D), jnp.float32),
            pltpu.VMEM((BAGS_PER_W + 24,), jnp.int32),
            pltpu.SemaphoreType.DMA,
            pltpu.SemaphoreType.DMA,
        ],
        compiler_params=pltpu.CompilerParams(
            use_tc_tiling_on_sc=False, needs_layout_passes=False),
    )
    return kfn(ids2d, offp, weight)


def kernel(input_ids, offsets, weight):
    input_ids = input_ids.astype(jnp.int32)
    offsets = offsets.astype(jnp.int32)
    ids_pad = jnp.concatenate(
        [input_ids, jnp.zeros((2 * CHUNK,), jnp.int32)]).reshape(-1, 128)
    offp = jnp.concatenate(
        [offsets, jnp.full((8,), TOTAL, jnp.int32)])
    return _run(ids_pad, offp, weight)

# --- scband reference (transcript-rebuilt; emitter-appended) ---
"""Pipeline reference for scband-torch-static-model-32676111188057 (READ-ONLY COPY).

The authoritative reference and input builder live on the scoring server;
editing this copy changes nothing except your own understanding.
"""

import jax, jax.numpy as jnp
import numpy as np

TOTAL = 819200
B = 4096
V = 1000000
D = 64

def setup_inputs(seed: int = 0) -> dict:
    key = jax.random.key(seed)
    k1, k2, k3 = jax.random.split(key, 3)
    input_ids = jax.random.randint(k1, (TOTAL,), 0, V)
    offsets = jnp.sort(jax.random.randint(k2, (B,), 0, TOTAL))
    offsets = offsets.at[0].set(0)  # EmbeddingBag requires offsets[0] == 0
    weight = jax.random.normal(k3, (V, D), dtype=jnp.float32) * 0.02
    return {"input_ids": input_ids, "offsets": offsets, "weight": weight}

def reference(input_ids, offsets, weight):
    total = input_ids.shape[0]
    nbags = offsets.shape[0]
    # segment id for each token: which bag it belongs to
    seg = jnp.searchsorted(offsets, jnp.arange(total), side='right') - 1
    gathered = jnp.take(weight, input_ids, axis=0)
    sums = jax.ops.segment_sum(gathered, seg, num_segments=nbags)
    counts = jax.ops.segment_sum(jnp.ones((total,), jnp.float32), seg, num_segments=nbags)
    mean = sums / jnp.maximum(counts, 1.0)[:, None]
    # normalize=True branch: F.normalize(p=2, dim=-1, eps=1e-12)
    norm = jnp.linalg.norm(mean, axis=-1, keepdims=True)
    return mean / jnp.maximum(norm, 1e-12)

if __name__ == "__main__":
    import jax
    _d = setup_inputs()
    print(jax.jit(kernel)(*tuple(_d.values())))

</pallas_src>

<mosaic_0001>
#map = affine_map<(d0, d1) -> (0, 0)>
#map1 = affine_map<(d0, d1) -> (0)>
module attributes {stable_mosaic.version = 14 : i64} {
  func.func @_sc_body(%arg0: i32, %arg1: i32, %arg2: memref<6408x128xi32, #tpu.memory_space<hbm>>, %arg3: memref<4104xi32, #tpu.memory_space<hbm>>, %arg4: memref<1000000x64xf32, #tpu.memory_space<hbm>>, %arg5: memref<4096x64xf32, #tpu.memory_space<hbm>>, %arg6: memref<2x4x128xi32, #tpu.memory_space<vmem>>, %arg7: memref<2x512x64xf32, #tpu.memory_space<vmem>>, %arg8: memref<128x64xf32, #tpu.memory_space<vmem>>, %arg9: memref<152xi32, #tpu.memory_space<vmem>>, %arg10: memref<!tpu.dma_semaphore, #tpu.memory_space<semaphore_mem>>, %arg11: memref<!tpu.dma_semaphore, #tpu.memory_space<semaphore_mem>>) attributes {dimension_semantics = [#tpu.dimension_semantics<core_parallel>, #tpu.dimension_semantics<subcore_parallel>], iteration_bounds = array<i64: 2, 16>, scalar_prefetch = 0 : i64, scratch_operands = 6 : i64, tpu.core_type = #tpu.core_type<sc_vector_subcore>, window_params = [{transform_indices = #map}, {transform_indices = #map1}, {transform_indices = #map}, {transform_indices = #map}]} {
    %mul3A = arith.constant 2 : i32
    %mul3A_0 = arith.muli %arg1, %mul3A : i32
    %add3A = arith.addi %mul3A_0, %arg0 : i32
    %mul3A_1 = arith.constant 128 : i32
    %mul3A_2 = arith.muli %add3A, %mul3A_1 : i32
    %multiple_of3A = tpu.assume_multiple %mul3A_2, 8 : i32
    "tpu.region"() ({
      %run_scoped3A_275 = tpu.sem_alloc : memref<!tpu.dma_semaphore, #tpu.memory_space<semaphore_mem>>
      %dma_start3A_276 = arith.constant 0 : i32
      %dma_start3A_277 = tpu.memref_slice %arg9[%dma_start3A_276] : memref<152xi32, #tpu.memory_space<vmem>> -> memref<136xi32, #tpu.memory_space<vmem>>
      %dma_start3A_278 = tpu.memref_slice %arg3[%multiple_of3A] : memref<4104xi32, #tpu.memory_space<hbm>> -> memref<136xi32, #tpu.memory_space<hbm>>
      %dma_start3A_279 = arith.constant 0 : i32
      %dma_start3A_280 = tpu.memref_slice %arg9[%dma_start3A_279] : memref<152xi32, #tpu.memory_space<vmem>> -> memref<136xi32, #tpu.memory_space<vmem>>
      %dma_start3A_281 = tpu.memref_slice %arg3[%multiple_of3A] : memref<4104xi32, #tpu.memory_space<hbm>> -> memref<136xi32, #tpu.memory_space<hbm>>
      tpu.enqueue_dma source(%dma_start3A_281 : memref<136xi32, #tpu.memory_space<hbm>>) target(%dma_start3A_280 : memref<136xi32, #tpu.memory_space<vmem>>) target_semaphore(%run_scoped3A_275 : memref<!tpu.dma_semaphore, #tpu.memory_space<semaphore_mem>>)
      %dma_wait3A_282 = arith.constant 0 : i32
      %dma_wait3A_283 = tpu.memref_slice %arg9[%dma_wait3A_282] : memref<152xi32, #tpu.memory_space<vmem>> -> memref<136xi32, #tpu.memory_space<vmem>>
      %dma_wait3A_284 = tpu.memref_slice %arg3[%multiple_of3A] : memref<4104xi32, #tpu.memory_space<hbm>> -> memref<136xi32, #tpu.memory_space<hbm>>
      %dma_wait3A_285 = arith.constant 0 : i32
      %dma_wait3A_286 = tpu.memref_slice %arg9[%dma_wait3A_285] : memref<152xi32, #tpu.memory_space<vmem>> -> memref<136xi32, #tpu.memory_space<vmem>>
      %dma_wait3A_287 = tpu.memref_slice %arg3[%multiple_of3A] : memref<4104xi32, #tpu.memory_space<hbm>> -> memref<136xi32, #tpu.memory_space<hbm>>
      tpu.wait_dma2 semaphore(%run_scoped3A_275 : memref<!tpu.dma_semaphore, #tpu.memory_space<semaphore_mem>>) src(%dma_wait3A_287 : memref<136xi32, #tpu.memory_space<hbm>>) dst(%dma_wait3A_286 : memref<136xi32, #tpu.memory_space<vmem>>)
      tpu.yield
    }) : () -> ()
    %broadcast_in_dim3A = arith.constant 0.000000e+00 : f32
    %broadcast_in_dim3A_3 = vector.broadcast %broadcast_in_dim3A : f32 to vector<16xf32>
    %scan3A = arith.constant 0 : i32
    %scan3A_4 = arith.constant 0 : i32
    %scan3A_5 = arith.constant 128 : i32
    %scan3A_6 = arith.addi %scan3A_4, %scan3A_5 : i32
    %scan3A_7 = arith.constant 1 : i32
    %scan3A_8 = scf.for %scan3A_275 = %scan3A_4 to %scan3A_6 step %scan3A_7 iter_args(%scan3A_276 = %scan3A) -> (i32)  : i32 {
      %swap3A = arith.index_cast %scan3A_275 : i32 to index
      %swap3A_277 = arith.constant 0 : index
      %swap3A_278 = tpu.vector_load %arg8[%swap3A, %swap3A_277] {strides = array<i32>} : memref<128x64xf32, #tpu.memory_space<vmem>>, vector<16xf32>,
      tpu.vector_store %arg8[%swap3A, %swap3A_277], %broadcast_in_dim3A_3 {strides = array<i32>} : memref<128x64xf32, #tpu.memory_space<vmem>>, vector<16xf32>,
      %swap3A_279 = arith.index_cast %scan3A_275 : i32 to index
      %swap3A_280 = arith.constant 16 : index
      %swap3A_281 = tpu.vector_load %arg8[%swap3A_279, %swap3A_280] {strides = array<i32>} : memref<128x64xf32, #tpu.memory_space<vmem>>, vector<16xf32>,
      tpu.vector_store %arg8[%swap3A_279, %swap3A_280], %broadcast_in_dim3A_3 {strides = array<i32>} : memref<128x64xf32, #tpu.memory_space<vmem>>, vector<16xf32>,
      %swap3A_282 = arith.index_cast %scan3A_275 : i32 to index
      %swap3A_283 = arith.constant 32 : index
      %swap3A_284 = tpu.vector_load %arg8[%swap3A_282, %swap3A_283] {strides = array<i32>} : memref<128x64xf32, #tpu.memory_space<vmem>>, vector<16xf32>,
      tpu.vector_store %arg8[%swap3A_282, %swap3A_283], %broadcast_in_dim3A_3 {strides = array<i32>} : memref<128x64xf32, #tpu.memory_space<vmem>>, vector<16xf32>,
      %swap3A_285 = arith.index_cast %scan3A_275 : i32 to index
      %swap3A_286 = arith.constant 48 : index
      %swap3A_287 = tpu.vector_load %arg8[%swap3A_285, %swap3A_286] {strides = array<i32>} : memref<128x64xf32, #tpu.memory_space<vmem>>, vector<16xf32>,
      tpu.vector_store %arg8[%swap3A_285, %swap3A_286], %broadcast_in_dim3A_3 {strides = array<i32>} : memref<128x64xf32, #tpu.memory_space<vmem>>, vector<16xf32>,
      %scan3A_288 = arith.constant 0 : i32
      scf.yield %scan3A_288 : i32
    }
    %scan3A_9 = arith.constant 128 : i32
    %get3A = arith.constant 0 : index
    %get3A_10 = tpu.vector_load %arg9[%get3A] {strides = array<i32>} : memref<152xi32, #tpu.memory_space<vmem>>, vector<16xi32>,
    %slice3A = vector.extract_strided_slice %get3A_10 {offsets = [0], sizes = [1], strides = [1]} : vector<16xi32> to vector<1xi32>
    %squeeze3A = vector.extract %slice3A[0] : i32 from vector<1xi32>
    %get3A_11 = arith.constant 128 : index
    %get3A_12 = tpu.vector_load %arg9[%get3A_11] {strides = array<i32>} : memref<152xi32, #tpu.memory_space<vmem>>, vector<16xi32>,
    %slice3A_13 = vector.extract_strided_slice %get3A_12 {offsets = [0], sizes = [1], strides = [1]} : vector<16xi32> to vector<1xi32>
    %squeeze3A_14 = vector.extract %slice3A_13[0] : i32 from vector<1xi32>
    %jit3A = arith.constant 128 : i32
    %div3A = arith.divsi %squeeze3A, %jit3A : i32
    %sign3A = arith.constant 0 : i32
    %sign3A_15 = arith.cmpi sgt, %squeeze3A, %sign3A : i32
    %sign3A_16 = arith.extui %sign3A_15 : i1 to i32
    %sign3A_17 = arith.constant 0 : i32
    %sign3A_18 = arith.cmpi slt, %squeeze3A, %sign3A_17 : i32
    %sign3A_19 = arith.extui %sign3A_18 : i1 to i32
    %sign3A_20 = arith.subi %sign3A_16, %sign3A_19 : i32
    %sign3A_21 = arith.constant 0 : i32
    %sign3A_22 = arith.cmpi sgt, %jit3A, %sign3A_21 : i32
    %sign3A_23 = arith.extui %sign3A_22 : i1 to i32
    %sign3A_24 = arith.constant 0 : i32
    %sign3A_25 = arith.cmpi slt, %jit3A, %sign3A_24 : i32
    %sign3A_26 = arith.extui %sign3A_25 : i1 to i32
    %sign3A_27 = arith.subi %sign3A_23, %sign3A_26 : i32
    %ne3A = arith.cmpi ne, %sign3A_20, %sign3A_27 : i32
    %rem3A = arith.remsi %squeeze3A, %jit3A : i32
    %ne3A_28 = arith.constant 0 : i32
    %ne3A_29 = arith.cmpi ne, %rem3A, %ne3A_28 : i32
    %and3A = arith.andi %ne3A, %ne3A_29 : i1
    %sub3A = arith.constant 1 : i32
    %sub3A_30 = arith.subi %div3A, %sub3A : i32
    %select_n3A = arith.select %and3A, %sub3A_30, %div3A : i32
    %mul3A_31 = arith.constant 128 : i32
    %mul3A_32 = arith.muli %select_n3A, %mul3A_31 : i32
    %sub3A_33 = arith.subi %squeeze3A_14, %mul3A_32 : i32
    %add3A_34 = arith.constant 512 : i32
    %add3A_35 = arith.addi %sub3A_33, %add3A_34 : i32
    %sub3A_36 = arith.constant 1 : i32
    %sub3A_37 = arith.subi %add3A_35, %sub3A_36 : i32
    %jit3A_38 = arith.constant 512 : i32
    %div3A_39 = arith.divsi %sub3A_37, %jit3A_38 : i32
    %sign3A_40 = arith.constant 0 : i32
    %sign3A_41 = arith.cmpi sgt, %sub3A_37, %sign3A_40 : i32
    %sign3A_42 = arith.extui %sign3A_41 : i1 to i32
    %sign3A_43 = arith.constant 0 : i32
    %sign3A_44 = arith.cmpi slt, %sub3A_37, %sign3A_43 : i32
    %sign3A_45 = arith.extui %sign3A_44 : i1 to i32
    %sign3A_46 = arith.subi %sign3A_42, %sign3A_45 : i32
    %sign3A_47 = arith.constant 0 : i32
    %sign3A_48 = arith.cmpi sgt, %jit3A_38, %sign3A_47 : i32
    %sign3A_49 = arith.extui %sign3A_48 : i1 to i32
    %sign3A_50 = arith.constant 0 : i32
    %sign3A_51 = arith.cmpi slt, %jit3A_38, %sign3A_50 : i32
    %sign3A_52 = arith.extui %sign3A_51 : i1 to i32
    %sign3A_53 = arith.subi %sign3A_49, %sign3A_52 : i32
    %ne3A_54 = arith.cmpi ne, %sign3A_46, %sign3A_53 : i32
    %rem3A_55 = arith.remsi %sub3A_37, %jit3A_38 : i32
    %ne3A_56 = arith.constant 0 : i32
    %ne3A_57 = arith.cmpi ne, %rem3A_55, %ne3A_56 : i32
    %and3A_58 = arith.andi %ne3A_54, %ne3A_57 : i1
    %sub3A_59 = arith.constant 1 : i32
    %sub3A_60 = arith.subi %div3A_39, %sub3A_59 : i32
    %select_n3A_61 = arith.select %and3A_58, %sub3A_60, %div3A_39 : i32
    %max3A = arith.constant 0 : i32
    %max3A_62 = arith.maxsi %max3A, %select_n3A_61 : i32
    %mul3A_63 = arith.constant 0 : i32
    %mul3A_64 = arith.constant 4 : i32
    %mul3A_65 = arith.muli %mul3A_63, %mul3A_64 : i32
    %add3A_66 = arith.addi %select_n3A, %mul3A_65 : i32
    %run_scoped3A = arith.constant 0 : i32
    "tpu.region"() ({
      %run_scoped3A_275 = tpu.sem_alloc : memref<!tpu.dma_semaphore, #tpu.memory_space<semaphore_mem>>
      %dma_start3A_276 = arith.constant 0 : i32
      %dma_start3A_277 = arith.constant 0 : i32
      %dma_start3A_278 = tpu.memref_slice %arg6[%run_scoped3A, %dma_start3A_276, %dma_start3A_277] : memref<2x4x128xi32, #tpu.memory_space<vmem>> -> memref<1x4x128xi32, #tpu.memory_space<vmem>>
      %dma_start3A_279 = tpu.memref_squeeze %dma_start3A_278 : memref<1x4x128xi32, #tpu.memory_space<vmem>> -> memref<4x128xi32, #tpu.memory_space<vmem>>
      %dma_start3A_280 = arith.constant 0 : i32
      %dma_start3A_281 = tpu.memref_slice %arg2[%add3A_66, %dma_start3A_280] : memref<6408x128xi32, #tpu.memory_space<hbm>> -> memref<4x128xi32, #tpu.memory_space<hbm>>
      %dma_start3A_282 = arith.constant 0 : i32
      %dma_start3A_283 = arith.constant 0 : i32
      %dma_start3A_284 = tpu.memref_slice %arg6[%run_scoped3A, %dma_start3A_282, %dma_start3A_283] : memref<2x4x128xi32, #tpu.memory_space<vmem>> -> memref<1x4x128xi32, #tpu.memory_space<vmem>>
      %dma_start3A_285 = tpu.memref_squeeze %dma_start3A_284 : memref<1x4x128xi32, #tpu.memory_space<vmem>> -> memref<4x128xi32, #tpu.memory_space<vmem>>
      %dma_start3A_286 = arith.constant 0 : i32
      %dma_start3A_287 = tpu.memref_slice %arg2[%add3A_66, %dma_start3A_286] : memref<6408x128xi32, #tpu.memory_space<hbm>> -> memref<4x128xi32, #tpu.memory_space<hbm>>
      tpu.enqueue_dma source(%dma_start3A_287 : memref<4x128xi32, #tpu.memory_space<hbm>>) target(%dma_start3A_285 : memref<4x128xi32, #tpu.memory_space<vmem>>) target_semaphore(%run_scoped3A_275 : memref<!tpu.dma_semaphore, #tpu.memory_space<semaphore_mem>>)
      %dma_wait3A_288 = arith.constant 0 : i32
      %dma_wait3A_289 = arith.constant 0 : i32
      %dma_wait3A_290 = tpu.memref_slice %arg6[%run_scoped3A, %dma_wait3A_288, %dma_wait3A_289] : memref<2x4x128xi32, #tpu.memory_space<vmem>> -> memref<1x4x128xi32, #tpu.memory_space<vmem>>
      %dma_wait3A_291 = tpu.memref_squeeze %dma_wait3A_290 : memref<1x4x128xi32, #tpu.memory_space<vmem>> -> memref<4x128xi32, #tpu.memory_space<vmem>>
      %dma_wait3A_292 = arith.constant 0 : i32
      %dma_wait3A_293 = tpu.memref_slice %arg2[%add3A_66, %dma_wait3A_292] : memref<6408x128xi32, #tpu.memory_space<hbm>> -> memref<4x128xi32, #tpu.memory_space<hbm>>
      %dma_wait3A_294 = arith.constant 0 : i32
      %dma_wait3A_295 = arith.constant 0 : i32
      %dma_wait3A_296 = tpu.memref_slice %arg6[%run_scoped3A, %dma_wait3A_294, %dma_wait3A_295] : memref<2x4x128xi32, #tpu.memory_space<vmem>> -> memref<1x4x128xi32, #tpu.memory_space<vmem>>
      %dma_wait3A_297 = tpu.memref_squeeze %dma_wait3A_296 : memref<1x4x128xi32, #tpu.memory_space<vmem>> -> memref<4x128xi32, #tpu.memory_space<vmem>>
      %dma_wait3A_298 = arith.constant 0 : i32
      %dma_wait3A_299 = tpu.memref_slice %arg2[%add3A_66, %dma_wait3A_298] : memref<6408x128xi32, #tpu.memory_space<hbm>> -> memref<4x128xi32, #tpu.memory_space<hbm>>
      tpu.wait_dma2 semaphore(%run_scoped3A_275 : memref<!tpu.dma_semaphore, #tpu.memory_space<semaphore_mem>>) src(%dma_wait3A_299 : memref<4x128xi32, #tpu.memory_space<hbm>>) dst(%dma_wait3A_297 : memref<4x128xi32, #tpu.memory_space<vmem>>)
      tpu.yield
    }) : () -> ()
    %dma_start3A = arith.constant 0 : i32
    %dma_start3A_67 = arith.constant 0 : i32
    %dma_start3A_68 = arith.constant 0 : i32
    %dma_start3A_69 = arith.constant 0 : i32
    %dma_start3A_70 = arith.constant 0 : i32
    %dma_start3A_71 = tpu.memref_slice %arg7[%dma_start3A_68, %dma_start3A_69, %dma_start3A_70] : memref<2x512x64xf32, #tpu.memory_space<vmem>> -> memref<1x128x64xf32, #tpu.memory_space<vmem>>
    %dma_start3A_72 = tpu.memref_squeeze %dma_start3A_71 : memref<1x128x64xf32, #tpu.memory_space<vmem>> -> memref<128x64xf32, #tpu.memory_space<vmem>>
    %dma_start3A_73 = arith.constant 0 : i32
    %dma_start3A_74 = tpu.memref_slice %arg6[%dma_start3A, %dma_start3A_67, %dma_start3A_73] : memref<2x4x128xi32, #tpu.memory_space<vmem>> -> memref<1x1x128xi32, #tpu.memory_space<vmem>>
    %dma_start3A_75 = tpu.memref_squeeze %dma_start3A_74 : memref<1x1x128xi32, #tpu.memory_space<vmem>> -> memref<128xi32, #tpu.memory_space<vmem>>
    %dma_start3A_76 = arith.constant 0 : i32
    %dma_start3A_77 = arith.constant 0 : i32
    %dma_start3A_78 = tpu.memref_slice %arg4[%dma_start3A_76, %dma_start3A_77] : memref<1000000x64xf32, #tpu.memory_space<hbm>> -> memref<1000000x64xf32, #tpu.memory_space<hbm>>
    tpu.enqueue_indirect_dma source(%dma_start3A_78 : memref<1000000x64xf32, #tpu.memory_space<hbm>>) target(%dma_start3A_72 : memref<128x64xf32, #tpu.memory_space<vmem>>) offsets(%dma_start3A_75 : memref<128xi32, #tpu.memory_space<vmem>>) semaphore(%arg10 : memref<!tpu.dma_semaphore, #tpu.memory_space<semaphore_mem>>)
    %dma_start3A_79 = arith.constant 0 : i32
    %dma_start3A_80 = arith.constant 1 : i32
    %dma_start3A_81 = arith.constant 0 : i32
    %dma_start3A_82 = arith.constant 128 : i32
    %dma_start3A_83 = arith.constant 0 : i32
    %dma_start3A_84 = tpu.memref_slice %arg7[%dma_start3A_81, %dma_start3A_82, %dma_start3A_83] : memref<2x512x64xf32, #tpu.memory_space<vmem>> -> memref<1x128x64xf32, #tpu.memory_space<vmem>>
    %dma_start3A_85 = tpu.memref_squeeze %dma_start3A_84 : memref<1x128x64xf32, #tpu.memory_space<vmem>> -> memref<128x64xf32, #tpu.memory_space<vmem>>
    %dma_start3A_86 = arith.constant 0 : i32
    %dma_start3A_87 = tpu.memref_slice %arg6[%dma_start3A_79, %dma_start3A_80, %dma_start3A_86] : memref<2x4x128xi32, #tpu.memory_space<vmem>> -> memref<1x1x128xi32, #tpu.memory_space<vmem>>
    %dma_start3A_88 = tpu.memref_squeeze %dma_start3A_87 : memref<1x1x128xi32, #tpu.memory_space<vmem>> -> memref<128xi32, #tpu.memory_space<vmem>>
    %dma_start3A_89 = arith.constant 0 : i32
    %dma_start3A_90 = arith.constant 0 : i32
    %dma_start3A_91 = tpu.memref_slice %arg4[%dma_start3A_89, %dma_start3A_90] : memref<1000000x64xf32, #tpu.memory_space<hbm>> -> memref<1000000x64xf32, #tpu.memory_space<hbm>>
    tpu.enqueue_indirect_dma source(%dma_start3A_91 : memref<1000000x64xf32, #tpu.memory_space<hbm>>) target(%dma_start3A_85 : memref<128x64xf32, #tpu.memory_space<vmem>>) offsets(%dma_start3A_88 : memref<128xi32, #tpu.memory_space<vmem>>) semaphore(%arg10 : memref<!tpu.dma_semaphore, #tpu.memory_space<semaphore_mem>>)
    %dma_start3A_92 = arith.constant 0 : i32
    %dma_start3A_93 = arith.constant 2 : i32
    %dma_start3A_94 = arith.constant 0 : i32
    %dma_start3A_95 = arith.constant 256 : i32
    %dma_start3A_96 = arith.constant 0 : i32
    %dma_start3A_97 = tpu.memref_slice %arg7[%dma_start3A_94, %dma_start3A_95, %dma_start3A_96] : memref<2x512x64xf32, #tpu.memory_space<vmem>> -> memref<1x128x64xf32, #tpu.memory_space<vmem>>
    %dma_start3A_98 = tpu.memref_squeeze %dma_start3A_97 : memref<1x128x64xf32, #tpu.memory_space<vmem>> -> memref<128x64xf32, #tpu.memory_space<vmem>>
    %dma_start3A_99 = arith.constant 0 : i32
    %dma_start3A_100 = tpu.memref_slice %arg6[%dma_start3A_92, %dma_start3A_93, %dma_start3A_99] : memref<2x4x128xi32, #tpu.memory_space<vmem>> -> memref<1x1x128xi32, #tpu.memory_space<vmem>>
    %dma_start3A_101 = tpu.memref_squeeze %dma_start3A_100 : memref<1x1x128xi32, #tpu.memory_space<vmem>> -> memref<128xi32, #tpu.memory_space<vmem>>
    %dma_start3A_102 = arith.constant 0 : i32
    %dma_start3A_103 = arith.constant 0 : i32
    %dma_start3A_104 = tpu.memref_slice %arg4[%dma_start3A_102, %dma_start3A_103] : memref<1000000x64xf32, #tpu.memory_space<hbm>> -> memref<1000000x64xf32, #tpu.memory_space<hbm>>
    tpu.enqueue_indirect_dma source(%dma_start3A_104 : memref<1000000x64xf32, #tpu.memory_space<hbm>>) target(%dma_start3A_98 : memref<128x64xf32, #tpu.memory_space<vmem>>) offsets(%dma_start3A_101 : memref<128xi32, #tpu.memory_space<vmem>>) semaphore(%arg10 : memref<!tpu.dma_semaphore, #tpu.memory_space<semaphore_mem>>)
    %dma_start3A_105 = arith.constant 0 : i32
    %dma_start3A_106 = arith.constant 3 : i32
    %dma_start3A_107 = arith.constant 0 : i32
    %dma_start3A_108 = arith.constant 384 : i32
    %dma_start3A_109 = arith.constant 0 : i32
    %dma_start3A_110 = tpu.memref_slice %arg7[%dma_start3A_107, %dma_start3A_108, %dma_start3A_109] : memref<2x512x64xf32, #tpu.memory_space<vmem>> -> memref<1x128x64xf32, #tpu.memory_space<vmem>>
    %dma_start3A_111 = tpu.memref_squeeze %dma_start3A_110 : memref<1x128x64xf32, #tpu.memory_space<vmem>> -> memref<128x64xf32, #tpu.memory_space<vmem>>
    %dma_start3A_112 = arith.constant 0 : i32
    %dma_start3A_113 = tpu.memref_slice %arg6[%dma_start3A_105, %dma_start3A_106, %dma_start3A_112] : memref<2x4x128xi32, #tpu.memory_space<vmem>> -> memref<1x1x128xi32, #tpu.memory_space<vmem>>
    %dma_start3A_114 = tpu.memref_squeeze %dma_start3A_113 : memref<1x1x128xi32, #tpu.memory_space<vmem>> -> memref<128xi32, #tpu.memory_space<vmem>>
    %dma_start3A_115 = arith.constant 0 : i32
    %dma_start3A_116 = arith.constant 0 : i32
    %dma_start3A_117 = tpu.memref_slice %arg4[%dma_start3A_115, %dma_start3A_116] : memref<1000000x64xf32, #tpu.memory_space<hbm>> -> memref<1000000x64xf32, #tpu.memory_space<hbm>>
    tpu.enqueue_indirect_dma source(%dma_start3A_117 : memref<1000000x64xf32, #tpu.memory_space<hbm>>) target(%dma_start3A_111 : memref<128x64xf32, #tpu.memory_space<vmem>>) offsets(%dma_start3A_114 : memref<128xi32, #tpu.memory_space<vmem>>) semaphore(%arg10 : memref<!tpu.dma_semaphore, #tpu.memory_space<semaphore_mem>>)
    %mul3A_118 = arith.constant 1 : i32
    %mul3A_119 = arith.constant 4 : i32
    %mul3A_120 = arith.muli %mul3A_118, %mul3A_119 : i32
    %add3A_121 = arith.addi %select_n3A, %mul3A_120 : i32
    %run_scoped3A_122 = arith.constant 1 : i32
    "tpu.region"() ({
      %run_scoped3A_275 = tpu.sem_alloc : memref<!tpu.dma_semaphore, #tpu.memory_space<semaphore_mem>>
      %dma_start3A_276 = arith.constant 0 : i32
      %dma_start3A_277 = arith.constant 0 : i32
      %dma_start3A_278 = tpu.memref_slice %arg6[%run_scoped3A_122, %dma_start3A_276, %dma_start3A_277] : memref<2x4x128xi32, #tpu.memory_space<vmem>> -> memref<1x4x128xi32, #tpu.memory_space<vmem>>
      %dma_start3A_279 = tpu.memref_squeeze %dma_start3A_278 : memref<1x4x128xi32, #tpu.memory_space<vmem>> -> memref<4x128xi32, #tpu.memory_space<vmem>>
      %dma_start3A_280 = arith.constant 0 : i32
      %dma_start3A_281 = tpu.memref_slice %arg2[%add3A_121, %dma_start3A_280] : memref<6408x128xi32, #tpu.memory_space<hbm>> -> memref<4x128xi32, #tpu.memory_space<hbm>>
      %dma_start3A_282 = arith.constant 0 : i32
      %dma_start3A_283 = arith.constant 0 : i32
      %dma_start3A_284 = tpu.memref_slice %arg6[%run_scoped3A_122, %dma_start3A_282, %dma_start3A_283] : memref<2x4x128xi32, #tpu.memory_space<vmem>> -> memref<1x4x128xi32, #tpu.memory_space<vmem>>
      %dma_start3A_285 = tpu.memref_squeeze %dma_start3A_284 : memref<1x4x128xi32, #tpu.memory_space<vmem>> -> memref<4x128xi32, #tpu.memory_space<vmem>>
      %dma_start3A_286 = arith.constant 0 : i32
      %dma_start3A_287 = tpu.memref_slice %arg2[%add3A_121, %dma_start3A_286] : memref<6408x128xi32, #tpu.memory_space<hbm>> -> memref<4x128xi32, #tpu.memory_space<hbm>>
      tpu.enqueue_dma source(%dma_start3A_287 : memref<4x128xi32, #tpu.memory_space<hbm>>) target(%dma_start3A_285 : memref<4x128xi32, #tpu.memory_space<vmem>>) target_semaphore(%run_scoped3A_275 : memref<!tpu.dma_semaphore, #tpu.memory_space<semaphore_mem>>)
      %dma_wait3A_288 = arith.constant 0 : i32
      %dma_wait3A_289 = arith.constant 0 : i32
      %dma_wait3A_290 = tpu.memref_slice %arg6[%run_scoped3A_122, %dma_wait3A_288, %dma_wait3A_289] : memref<2x4x128xi32, #tpu.memory_space<vmem>> -> memref<1x4x128xi32, #tpu.memory_space<vmem>>
      %dma_wait3A_291 = tpu.memref_squeeze %dma_wait3A_290 : memref<1x4x128xi32, #tpu.memory_space<vmem>> -> memref<4x128xi32, #tpu.memory_space<vmem>>
      %dma_wait3A_292 = arith.constant 0 : i32
      %dma_wait3A_293 = tpu.memref_slice %arg2[%add3A_121, %dma_wait3A_292] : memref<6408x128xi32, #tpu.memory_space<hbm>> -> memref<4x128xi32, #tpu.memory_space<hbm>>
      %dma_wait3A_294 = arith.constant 0 : i32
      %dma_wait3A_295 = arith.constant 0 : i32
      %dma_wait3A_296 = tpu.memref_slice %arg6[%run_scoped3A_122, %dma_wait3A_294, %dma_wait3A_295] : memref<2x4x128xi32, #tpu.memory_space<vmem>> -> memref<1x4x128xi32, #tpu.memory_space<vmem>>
      %dma_wait3A_297 = tpu.memref_squeeze %dma_wait3A_296 : memref<1x4x128xi32, #tpu.memory_space<vmem>> -> memref<4x128xi32, #tpu.memory_space<vmem>>
      %dma_wait3A_298 = arith.constant 0 : i32
      %dma_wait3A_299 = tpu.memref_slice %arg2[%add3A_121, %dma_wait3A_298] : memref<6408x128xi32, #tpu.memory_space<hbm>> -> memref<4x128xi32, #tpu.memory_space<hbm>>
      tpu.wait_dma2 semaphore(%run_scoped3A_275 : memref<!tpu.dma_semaphore, #tpu.memory_space<semaphore_mem>>) src(%dma_wait3A_299 : memref<4x128xi32, #tpu.memory_space<hbm>>) dst(%dma_wait3A_297 : memref<4x128xi32, #tpu.memory_space<vmem>>)
      tpu.yield
    }) : () -> ()
    %dma_start3A_123 = arith.constant 1 : i32
    %dma_start3A_124 = arith.constant 0 : i32
    %dma_start3A_125 = arith.constant 1 : i32
    %dma_start3A_126 = arith.constant 0 : i32
    %dma_start3A_127 = arith.constant 0 : i32
    %dma_start3A_128 = tpu.memref_slice %arg7[%dma_start3A_125, %dma_start3A_126, %dma_start3A_127] : memref<2x512x64xf32, #tpu.memory_space<vmem>> -> memref<1x128x64xf32, #tpu.memory_space<vmem>>
    %dma_start3A_129 = tpu.memref_squeeze %dma_start3A_128 : memref<1x128x64xf32, #tpu.memory_space<vmem>> -> memref<128x64xf32, #tpu.memory_space<vmem>>
    %dma_start3A_130 = arith.constant 0 : i32
    %dma_start3A_131 = tpu.memref_slice %arg6[%dma_start3A_123, %dma_start3A_124, %dma_start3A_130] : memref<2x4x128xi32, #tpu.memory_space<vmem>> -> memref<1x1x128xi32, #tpu.memory_space<vmem>>
    %dma_start3A_132 = tpu.memref_squeeze %dma_start3A_131 : memref<1x1x128xi32, #tpu.memory_space<vmem>> -> memref<128xi32, #tpu.memory_space<vmem>>
    %dma_start3A_133 = arith.constant 0 : i32
    %dma_start3A_134 = arith.constant 0 : i32
    %dma_start3A_135 = tpu.memref_slice %arg4[%dma_start3A_133, %dma_start3A_134] : memref<1000000x64xf32, #tpu.memory_space<hbm>> -> memref<1000000x64xf32, #tpu.memory_space<hbm>>
    tpu.enqueue_indirect_dma source(%dma_start3A_135 : memref<1000000x64xf32, #tpu.memory_space<hbm>>) target(%dma_start3A_129 : memref<128x64xf32, #tpu.memory_space<vmem>>) offsets(%dma_start3A_132 : memref<128xi32, #tpu.memory_space<vmem>>) semaphore(%arg11 : memref<!tpu.dma_semaphore, #tpu.memory_space<semaphore_mem>>)
    %dma_start3A_136 = arith.constant 1 : i32
    %dma_start3A_137 = arith.constant 1 : i32
    %dma_start3A_138 = arith.constant 1 : i32
    %dma_start3A_139 = arith.constant 128 : i32
    %dma_start3A_140 = arith.constant 0 : i32
    %dma_start3A_141 = tpu.memref_slice %arg7[%dma_start3A_138, %dma_start3A_139, %dma_start3A_140] : memref<2x512x64xf32, #tpu.memory_space<vmem>> -> memref<1x128x64xf32, #tpu.memory_space<vmem>>
    %dma_start3A_142 = tpu.memref_squeeze %dma_start3A_141 : memref<1x128x64xf32, #tpu.memory_space<vmem>> -> memref<128x64xf32, #tpu.memory_space<vmem>>
    %dma_start3A_143 = arith.constant 0 : i32
    %dma_start3A_144 = tpu.memref_slice %arg6[%dma_start3A_136, %dma_start3A_137, %dma_start3A_143] : memref<2x4x128xi32, #tpu.memory_space<vmem>> -> memref<1x1x128xi32, #tpu.memory_space<vmem>>
    %dma_start3A_145 = tpu.memref_squeeze %dma_start3A_144 : memref<1x1x128xi32, #tpu.memory_space<vmem>> -> memref<128xi32, #tpu.memory_space<vmem>>
    %dma_start3A_146 = arith.constant 0 : i32
    %dma_start3A_147 = arith.constant 0 : i32
    %dma_start3A_148 = tpu.memref_slice %arg4[%dma_start3A_146, %dma_start3A_147] : memref<1000000x64xf32, #tpu.memory_space<hbm>> -> memref<1000000x64xf32, #tpu.memory_space<hbm>>
    tpu.enqueue_indirect_dma source(%dma_start3A_148 : memref<1000000x64xf32, #tpu.memory_space<hbm>>) target(%dma_start3A_142 : memref<128x64xf32, #tpu.memory_space<vmem>>) offsets(%dma_start3A_145 : memref<128xi32, #tpu.memory_space<vmem>>) semaphore(%arg11 : memref<!tpu.dma_semaphore, #tpu.memory_space<semaphore_mem>>)
    %dma_start3A_149 = arith.constant 1 : i32
    %dma_start3A_150 = arith.constant 2 : i32
    %dma_start3A_151 = arith.constant 1 : i32
    %dma_start3A_152 = arith.constant 256 : i32
    %dma_start3A_153 = arith.constant 0 : i32
    %dma_start3A_154 = tpu.memref_slice %arg7[%dma_start3A_151, %dma_start3A_152, %dma_start3A_153] : memref<2x512x64xf32, #tpu.memory_space<vmem>> -> memref<1x128x64xf32, #tpu.memory_space<vmem>>
    %dma_start3A_155 = tpu.memref_squeeze %dma_start3A_154 : memref<1x128x64xf32, #tpu.memory_space<vmem>> -> memref<128x64xf32, #tpu.memory_space<vmem>>
    %dma_start3A_156 = arith.constant 0 : i32
    %dma_start3A_157 = tpu.memref_slice %arg6[%dma_start3A_149, %dma_start3A_150, %dma_start3A_156] : memref<2x4x128xi32, #tpu.memory_space<vmem>> -> memref<1x1x128xi32, #tpu.memory_space<vmem>>
    %dma_start3A_158 = tpu.memref_squeeze %dma_start3A_157 : memref<1x1x128xi32, #tpu.memory_space<vmem>> -> memref<128xi32, #tpu.memory_space<vmem>>
    %dma_start3A_159 = arith.constant 0 : i32
    %dma_start3A_160 = arith.constant 0 : i32
    %dma_start3A_161 = tpu.memref_slice %arg4[%dma_start3A_159, %dma_start3A_160] : memref<1000000x64xf32, #tpu.memory_space<hbm>> -> memref<1000000x64xf32, #tpu.memory_space<hbm>>
    tpu.enqueue_indirect_dma source(%dma_start3A_161 : memref<1000000x64xf32, #tpu.memory_space<hbm>>) target(%dma_start3A_155 : memref<128x64xf32, #tpu.memory_space<vmem>>) offsets(%dma_start3A_158 : memref<128xi32, #tpu.memory_space<vmem>>) semaphore(%arg11 : memref<!tpu.dma_semaphore, #tpu.memory_space<semaphore_mem>>)
    %dma_start3A_162 = arith.constant 1 : i32
    %dma_start3A_163 = arith.constant 3 : i32
    %dma_start3A_164 = arith.constant 1 : i32
    %dma_start3A_165 = arith.constant 384 : i32
    %dma_start3A_166 = arith.constant 0 : i32
    %dma_start3A_167 = tpu.memref_slice %arg7[%dma_start3A_164, %dma_start3A_165, %dma_start3A_166] : memref<2x512x64xf32, #tpu.memory_space<vmem>> -> memref<1x128x64xf32, #tpu.memory_space<vmem>>
    %dma_start3A_168 = tpu.memref_squeeze %dma_start3A_167 : memref<1x128x64xf32, #tpu.memory_space<vmem>> -> memref<128x64xf32, #tpu.memory_space<vmem>>
    %dma_start3A_169 = arith.constant 0 : i32
    %dma_start3A_170 = tpu.memref_slice %arg6[%dma_start3A_162, %dma_start3A_163, %dma_start3A_169] : memref<2x4x128xi32, #tpu.memory_space<vmem>> -> memref<1x1x128xi32, #tpu.memory_space<vmem>>
    %dma_start3A_171 = tpu.memref_squeeze %dma_start3A_170 : memref<1x1x128xi32, #tpu.memory_space<vmem>> -> memref<128xi32, #tpu.memory_space<vmem>>
    %dma_start3A_172 = arith.constant 0 : i32
    %dma_start3A_173 = arith.constant 0 : i32
    %dma_start3A_174 = tpu.memref_slice %arg4[%dma_start3A_172, %dma_start3A_173] : memref<1000000x64xf32, #tpu.memory_space<hbm>> -> memref<1000000x64xf32, #tpu.memory_space<hbm>>
    tpu.enqueue_indirect_dma source(%dma_start3A_174 : memref<1000000x64xf32, #tpu.memory_space<hbm>>) target(%dma_start3A_168 : memref<128x64xf32, #tpu.memory_space<vmem>>) offsets(%dma_start3A_171 : memref<128xi32, #tpu.memory_space<vmem>>) semaphore(%arg11 : memref<!tpu.dma_semaphore, #tpu.memory_space<semaphore_mem>>)
    %dma_wait3A = arith.constant 0 : i32
    %dma_wait3A_175 = arith.constant 0 : i32
    %dma_wait3A_176 = arith.constant 0 : i32
    %dma_wait3A_177 = arith.constant 0 : i32
    %dma_wait3A_178 = arith.constant 0 : i32
    %dma_wait3A_179 = tpu.memref_slice %arg7[%dma_wait3A_176, %dma_wait3A_177, %dma_wait3A_178] : memref<2x512x64xf32, #tpu.memory_space<vmem>> -> memref<1x128x64xf32, #tpu.memory_space<vmem>>
    %dma_wait3A_180 = tpu.memref_squeeze %dma_wait3A_179 : memref<1x128x64xf32, #tpu.memory_space<vmem>> -> memref<128x64xf32, #tpu.memory_space<vmem>>
    %dma_wait3A_181 = arith.constant 0 : i32
    %dma_wait3A_182 = tpu.memref_slice %arg6[%dma_wait3A, %dma_wait3A_175, %dma_wait3A_181] : memref<2x4x128xi32, #tpu.memory_space<vmem>> -> memref<1x1x128xi32, #tpu.memory_space<vmem>>
    %dma_wait3A_183 = tpu.memref_squeeze %dma_wait3A_182 : memref<1x1x128xi32, #tpu.memory_space<vmem>> -> memref<128xi32, #tpu.memory_space<vmem>>
    %dma_wait3A_184 = arith.constant 0 : i32
    %dma_wait3A_185 = arith.constant 0 : i32
    %dma_wait3A_186 = tpu.memref_slice %arg4[%dma_wait3A_184, %dma_wait3A_185] : memref<1000000x64xf32, #tpu.memory_space<hbm>> -> memref<1000000x64xf32, #tpu.memory_space<hbm>>
    tpu.wait_indirect_dma semaphore(%arg10 : memref<!tpu.dma_semaphore, #tpu.memory_space<semaphore_mem>>) src(%dma_wait3A_186 : memref<1000000x64xf32, #tpu.memory_space<hbm>>) dst(%dma_wait3A_180 : memref<128x64xf32, #tpu.memory_space<vmem>>)
    %dma_wait3A_187 = arith.constant 0 : i32
    %dma_wait3A_188 = arith.constant 1 : i32
    %dma_wait3A_189 = arith.constant 0 : i32
    %dma_wait3A_190 = arith.constant 128 : i32
    %dma_wait3A_191 = arith.constant 0 : i32
    %dma_wait3A_192 = tpu.memref_slice %arg7[%dma_wait3A_189, %dma_wait3A_190, %dma_wait3A_191] : memref<2x512x64xf32, #tpu.memory_space<vmem>> -> memref<1x128x64xf32, #tpu.memory_space<vmem>>
    %dma_wait3A_193 = tpu.memref_squeeze %dma_wait3A_192 : memref<1x128x64xf32, #tpu.memory_space<vmem>> -> memref<128x64xf32, #tpu.memory_space<vmem>>
    %dma_wait3A_194 = arith.constant 0 : i32
    %dma_wait3A_195 = tpu.memref_slice %arg6[%dma_wait3A_187, %dma_wait3A_188, %dma_wait3A_194] : memref<2x4x128xi32, #tpu.memory_space<vmem>> -> memref<1x1x128xi32, #tpu.memory_space<vmem>>
    %dma_wait3A_196 = tpu.memref_squeeze %dma_wait3A_195 : memref<1x1x128xi32, #tpu.memory_space<vmem>> -> memref<128xi32, #tpu.memory_space<vmem>>
    %dma_wait3A_197 = arith.constant 0 : i32
    %dma_wait3A_198 = arith.constant 0 : i32
    %dma_wait3A_199 = tpu.memref_slice %arg4[%dma_wait3A_197, %dma_wait3A_198] : memref<1000000x64xf32, #tpu.memory_space<hbm>> -> memref<1000000x64xf32, #tpu.memory_space<hbm>>
    tpu.wait_indirect_dma semaphore(%arg10 : memref<!tpu.dma_semaphore, #tpu.memory_space<semaphore_mem>>) src(%dma_wait3A_199 : memref<1000000x64xf32, #tpu.memory_space<hbm>>) dst(%dma_wait3A_193 : memref<128x64xf32, #tpu.memory_space<vmem>>)
    %dma_wait3A_200 = arith.constant 0 : i32
    %dma_wait3A_201 = arith.constant 2 : i32
    %dma_wait3A_202 = arith.constant 0 : i32
    %dma_wait3A_203 = arith.constant 256 : i32
    %dma_wait3A_204 = arith.constant 0 : i32
    %dma_wait3A_205 = tpu.memref_slice %arg7[%dma_wait3A_202, %dma_wait3A_203, %dma_wait3A_204] : memref<2x512x64xf32, #tpu.memory_space<vmem>> -> memref<1x128x64xf32, #tpu.memory_space<vmem>>
    %dma_wait3A_206 = tpu.memref_squeeze %dma_wait3A_205 : memref<1x128x64xf32, #tpu.memory_space<vmem>> -> memref<128x64xf32, #tpu.memory_space<vmem>>
    %dma_wait3A_207 = arith.constant 0 : i32
    %dma_wait3A_208 = tpu.memref_slice %arg6[%dma_wait3A_200, %dma_wait3A_201, %dma_wait3A_207] : memref<2x4x128xi32, #tpu.memory_space<vmem>> -> memref<1x1x128xi32, #tpu.memory_space<vmem>>
    %dma_wait3A_209 = tpu.memref_squeeze %dma_wait3A_208 : memref<1x1x128xi32, #tpu.memory_space<vmem>> -> memref<128xi32, #tpu.memory_space<vmem>>
    %dma_wait3A_210 = arith.constant 0 : i32
    %dma_wait3A_211 = arith.constant 0 : i32
    %dma_wait3A_212 = tpu.memref_slice %arg4[%dma_wait3A_210, %dma_wait3A_211] : memref<1000000x64xf32, #tpu.memory_space<hbm>> -> memref<1000000x64xf32, #tpu.memory_space<hbm>>
    tpu.wait_indirect_dma semaphore(%arg10 : memref<!tpu.dma_semaphore, #tpu.memory_space<semaphore_mem>>) src(%dma_wait3A_212 : memref<1000000x64xf32, #tpu.memory_space<hbm>>) dst(%dma_wait3A_206 : memref<128x64xf32, #tpu.memory_space<vmem>>)
    %dma_wait3A_213 = arith.constant 0 : i32
    %dma_wait3A_214 = arith.constant 3 : i32
    %dma_wait3A_215 = arith.constant 0 : i32
    %dma_wait3A_216 = arith.constant 384 : i32
    %dma_wait3A_217 = arith.constant 0 : i32
    %dma_wait3A_218 = tpu.memref_slice %arg7[%dma_wait3A_215, %dma_wait3A_216, %dma_wait3A_217] : memref<2x512x64xf32, #tpu.memory_space<vmem>> -> memref<1x128x64xf32, #tpu.memory_space<vmem>>
    %dma_wait3A_219 = tpu.memref_squeeze %dma_wait3A_218 : memref<1x128x64xf32, #tpu.memory_space<vmem>> -> memref<128x64xf32, #tpu.memory_space<vmem>>
    %dma_wait3A_220 = arith.constant 0 : i32
    %dma_wait3A_221 = tpu.memref_slice %arg6[%dma_wait3A_213, %dma_wait3A_214, %dma_wait3A_220] : memref<2x4x128xi32, #tpu.memory_space<vmem>> -> memref<1x1x128xi32, #tpu.memory_space<vmem>>
    %dma_wait3A_222 = tpu.memref_squeeze %dma_wait3A_221 : memref<1x1x128xi32, #tpu.memory_space<vmem>> -> memref<128xi32, #tpu.memory_space<vmem>>
    %dma_wait3A_223 = arith.constant 0 : i32
    %dma_wait3A_224 = arith.constant 0 : i32
    %dma_wait3A_225 = tpu.memref_slice %arg4[%dma_wait3A_223, %dma_wait3A_224] : memref<1000000x64xf32, #tpu.memory_space<hbm>> -> memref<1000000x64xf32, #tpu.memory_space<hbm>>
    tpu.wait_indirect_dma semaphore(%arg10 : memref<!tpu.dma_semaphore, #tpu.memory_space<semaphore_mem>>) src(%dma_wait3A_225 : memref<1000000x64xf32, #tpu.memory_space<hbm>>) dst(%dma_wait3A_219 : memref<128x64xf32, #tpu.memory_space<vmem>>)
    %sub3A_226 = arith.constant 1 : i32
    %sub3A_227 = arith.subi %max3A_62, %sub3A_226 : i32
    %max3A_228 = arith.constant 0 : i32
    %max3A_229 = arith.maxsi %sub3A_227, %max3A_228 : i32
    %add3A_230 = arith.constant 128 : i32
    %add3A_231 = arith.addi %add3A_230, %max3A_229 : i32
    %while3A = arith.constant 0 : i32
    %while3A_232 = arith.constant 0 : i32
    %while3A_233 = arith.constant 0 : i32
    %while3A_234 = arith.subi %add3A_231, %while3A : i32
    %while3A_235 = arith.addi %while3A, %while3A_234 : i32
    %while3A_236 = arith.constant 1 : i32
    %while3A_237 = arith.divsi %while3A_234, %while3A_236 : i32
    %while3A_238 = arith.muli %while3A_237, %while3A_236 : i32
    %while3A_239 = arith.addi %while3A, %while3A_238 : i32
    %while3A_240 = arith.constant 1 : i32
    %while3A_241:2 = scf.for %while3A_275 = %while3A to %while3A_239 step %while3A_240 iter_args(%while3A_276 = %while3A_232, %while3A_277 = %while3A_233) -> (i32, i32)  : i32 {
      %and3A_278 = arith.constant 1 : i32
      %and3A_279 = arith.andi %while3A_276, %and3A_278 : i32
      %mul3A_280 = arith.constant 512 : i32
      %mul3A_281 = arith.muli %while3A_276, %mul3A_280 : i32
      %add3A_282 = arith.addi %mul3A_32, %mul3A_281 : i32
      %add3A_283 = arith.constant 512 : i32
      %add3A_284 = arith.addi %add3A_282, %add3A_283 : i32
      %min3A = arith.minsi %add3A_284, %squeeze3A_14 : i32
      %get3A_285 = arith.index_cast %while3A_277 : i32 to index
      %get3A_286 = tpu.vector_load %arg9[%get3A_285] {strides = array<i32>} : memref<152xi32, #tpu.memory_space<vmem>>, vector<16xi32>,
      %slice3A_287 = vector.extract_strided_slice %get3A_286 {offsets = [0], sizes = [1], strides = [1]} : vector<16xi32> to vector<1xi32>
      %squeeze3A_288 = vector.extract %slice3A_287[0] : i32 from vector<1xi32>
      %add3A_289 = arith.constant 1 : i32
      %add3A_290 = arith.addi %while3A_277, %add3A_289 : i32
      %get3A_291 = arith.index_cast %add3A_290 : i32 to index
      %get3A_292 = tpu.vector_load %arg9[%get3A_291] {strides = array<i32>} : memref<152xi32, #tpu.memory_space<vmem>>, vector<16xi32>,
      %slice3A_293 = vector.extract_strided_slice %get3A_292 {offsets = [0], sizes = [1], strides = [1]} : vector<16xi32> to vector<1xi32>
      %squeeze3A_294 = vector.extract %slice3A_293[0] : i32 from vector<1xi32>
      %max3A_295 = arith.maxsi %squeeze3A_288, %add3A_282 : i32
      %sub3A_296 = arith.subi %max3A_295, %add3A_282 : i32
      %min3A_297 = arith.minsi %squeeze3A_294, %min3A : i32
      %sub3A_298 = arith.subi %min3A_297, %add3A_282 : i32
      %get3A_299 = arith.index_cast %while3A_277 : i32 to index
      %get3A_300 = arith.constant 0 : index
      %get3A_301 = tpu.vector_load %arg8[%get3A_299, %get3A_300] {strides = array<i32>} : memref<128x64xf32, #tpu.memory_space<vmem>>, vector<16xf32>,
      %get3A_302 = arith.index_cast %while3A_277 : i32 to index
      %get3A_303 = arith.constant 16 : index
      %get3A_304 = tpu.vector_load %arg8[%get3A_302, %get3A_303] {strides = array<i32>} : memref<128x64xf32, #tpu.memory_space<vmem>>, vector<16xf32>,
      %get3A_305 = arith.index_cast %while3A_277 : i32 to index
      %get3A_306 = arith.constant 32 : index
      %get3A_307 = tpu.vector_load %arg8[%get3A_305, %get3A_306] {strides = array<i32>} : memref<128x64xf32, #tpu.memory_space<vmem>>, vector<16xf32>,
      %get3A_308 = arith.index_cast %while3A_277 : i32 to index
      %get3A_309 = arith.constant 48 : index
      %get3A_310 = tpu.vector_load %arg8[%get3A_308, %get3A_309] {strides = array<i32>} : memref<128x64xf32, #tpu.memory_space<vmem>>, vector<16xf32>,
      %parallel_loop3A = arith.constant 1 : i32
      %parallel_loop3A_311:4 = scf.for %parallel_loop3A_345 = %sub3A_296 to %sub3A_298 step %parallel_loop3A iter_args(%parallel_loop3A_346 = %get3A_301, %parallel_loop3A_347 = %get3A_304, %parallel_loop3A_348 = %get3A_307, %parallel_loop3A_349 = %get3A_310) -> (vector<16xf32>, vector<16xf32>, vector<16xf32>, vector<16xf32>)  : i32 {
        %parallel_loop3A_350 = arith.index_cast %and3A_279 : i32 to index
        %parallel_loop3A_351 = arith.index_cast %parallel_loop3A_345 : i32 to index
        %parallel_loop3A_352 = arith.constant 0 : index
        %parallel_loop3A_353 = tpu.vector_load %arg7[%parallel_loop3A_350, %parallel_loop3A_351, %parallel_loop3A_352] {strides = array<i32>} : memref<2x512x64xf32, #tpu.memory_space<vmem>>, vector<16xf32>,
        %parallel_loop3A_354 = arith.addf %parallel_loop3A_346, %parallel_loop3A_353 : vector<16xf32>
        %parallel_loop3A_355 = arith.index_cast %and3A_279 : i32 to index
        %parallel_loop3A_356 = arith.index_cast %parallel_loop3A_345 : i32 to index
        %parallel_loop3A_357 = arith.constant 16 : index
        %parallel_loop3A_358 = tpu.vector_load %arg7[%parallel_loop3A_355, %parallel_loop3A_356, %parallel_loop3A_357] {strides = array<i32>} : memref<2x512x64xf32, #tpu.memory_space<vmem>>, vector<16xf32>,
        %parallel_loop3A_359 = arith.addf %parallel_loop3A_347, %parallel_loop3A_358 : vector<16xf32>
        %parallel_loop3A_360 = arith.index_cast %and3A_279 : i32 to index
        %parallel_loop3A_361 = arith.index_cast %parallel_loop3A_345 : i32 to index
        %parallel_loop3A_362 = arith.constant 32 : index
        %parallel_loop3A_363 = tpu.vector_load %arg7[%parallel_loop3A_360, %parallel_loop3A_361, %parallel_loop3A_362] {strides = array<i32>} : memref<2x512x64xf32, #tpu.memory_space<vmem>>, vector<16xf32>,
        %parallel_loop3A_364 = arith.addf %parallel_loop3A_348, %parallel_loop3A_363 : vector<16xf32>
        %parallel_loop3A_365 = arith.index_cast %and3A_279 : i32 to index
        %parallel_loop3A_366 = arith.index_cast %parallel_loop3A_345 : i32 to index
        %parallel_loop3A_367 = arith.constant 48 : index
        %parallel_loop3A_368 = tpu.vector_load %arg7[%parallel_loop3A_365, %parallel_loop3A_366, %parallel_loop3A_367] {strides = array<i32>} : memref<2x512x64xf32, #tpu.memory_space<vmem>>, vector<16xf32>,
        %parallel_loop3A_369 = arith.addf %parallel_loop3A_349, %parallel_loop3A_368 : vector<16xf32>
        scf.yield %parallel_loop3A_354, %parallel_loop3A_359, %parallel_loop3A_364, %parallel_loop3A_369 : vector<16xf32>, vector<16xf32>, vector<16xf32>, vector<16xf32>
      } {sc.loop_unroll_factor = 4 : i64, sc.parallel_access}
      %swap3A = arith.index_cast %while3A_277 : i32 to index
      %swap3A_312 = arith.constant 0 : index
      %swap3A_313 = tpu.vector_load %arg8[%swap3A, %swap3A_312] {strides = array<i32>} : memref<128x64xf32, #tpu.memory_space<vmem>>, vector<16xf32>,
      tpu.vector_store %arg8[%swap3A, %swap3A_312], %parallel_loop3A_311#0 {strides = array<i32>} : memref<128x64xf32, #tpu.memory_space<vmem>>, vector<16xf32>,
      %swap3A_314 = arith.index_cast %while3A_277 : i32 to index
      %swap3A_315 = arith.constant 16 : index
      %swap3A_316 = tpu.vector_load %arg8[%swap3A_314, %swap3A_315] {strides = array<i32>} : memref<128x64xf32, #tpu.memory_space<vmem>>, vector<16xf32>,
      tpu.vector_store %arg8[%swap3A_314, %swap3A_315], %parallel_loop3A_311#1 {strides = array<i32>} : memref<128x64xf32, #tpu.memory_space<vmem>>, vector<16xf32>,
      %swap3A_317 = arith.index_cast %while3A_277 : i32 to index
      %swap3A_318 = arith.constant 32 : index
      %swap3A_319 = tpu.vector_load %arg8[%swap3A_317, %swap3A_318] {strides = array<i32>} : memref<128x64xf32, #tpu.memory_space<vmem>>, vector<16xf32>,
      tpu.vector_store %arg8[%swap3A_317, %swap3A_318], %parallel_loop3A_311#2 {strides = array<i32>} : memref<128x64xf32, #tpu.memory_space<vmem>>, vector<16xf32>,
      %swap3A_320 = arith.index_cast %while3A_277 : i32 to index
      %swap3A_321 = arith.constant 48 : index
      %swap3A_322 = tpu.vector_load %arg8[%swap3A_320, %swap3A_321] {strides = array<i32>} : memref<128x64xf32, #tpu.memory_space<vmem>>, vector<16xf32>,
      tpu.vector_store %arg8[%swap3A_320, %swap3A_321], %parallel_loop3A_311#3 {strides = array<i32>} : memref<128x64xf32, #tpu.memory_space<vmem>>, vector<16xf32>,
      %le3A = arith.cmpi sle, %squeeze3A_294, %min3A : i32
      %not3A = arith.constant true
      %not3A_323 = arith.xori %le3A, %not3A : i1
      %add3A_324 = arith.constant 1 : i32
      %add3A_325 = arith.addi %while3A_276, %add3A_324 : i32
      %lt3A = arith.cmpi slt, %add3A_325, %max3A_62 : i32
      %and3A_326 = arith.andi %not3A_323, %lt3A : i1
      %eq3A_327 = arith.constant 0 : i32
      %eq3A_328 = arith.cmpi eq, %and3A_279, %eq3A_327 : i32
      %and3A_329 = arith.andi %and3A_326, %eq3A_328 : i1
      %convert_element_type3A_330 = arith.extui %and3A_329 : i1 to i32
      %cond3A_331 = arith.constant 0 : i32
      %cond3A_332 = arith.cmpi ne, %convert_element_type3A_330, %cond3A_331 : i32
      scf.if %cond3A_332 {
        %add3A_345 = arith.constant 2 : i32
        %add3A_346 = arith.addi %while3A_276, %add3A_345 : i32
        %mul3A_347 = arith.constant 4 : i32
        %mul3A_348 = arith.muli %add3A_346, %mul3A_347 : i32
        %add3A_349 = arith.addi %select_n3A, %mul3A_348 : i32
        %run_scoped3A_350 = arith.constant 0 : i32
        "tpu.region"() ({
          %run_scoped3A_455 = tpu.sem_alloc : memref<!tpu.dma_semaphore, #tpu.memory_space<semaphore_mem>>
          %dma_start3A_456 = arith.constant 0 : i32
          %dma_start3A_457 = arith.constant 0 : i32
          %dma_start3A_458 = tpu.memref_slice %arg6[%run_scoped3A_350, %dma_start3A_456, %dma_start3A_457] : memref<2x4x128xi32, #tpu.memory_space<vmem>> -> memref<1x4x128xi32, #tpu.memory_space<vmem>>
          %dma_start3A_459 = tpu.memref_squeeze %dma_start3A_458 : memref<1x4x128xi32, #tpu.memory_space<vmem>> -> memref<4x128xi32, #tpu.memory_space<vmem>>
          %dma_start3A_460 = arith.constant 0 : i32
          %dma_start3A_461 = tpu.memref_slice %arg2[%add3A_349, %dma_start3A_460] : memref<6408x128xi32, #tpu.memory_space<hbm>> -> memref<4x128xi32, #tpu.memory_space<hbm>>
          %dma_start3A_462 = arith.constant 0 : i32
          %dma_start3A_463 = arith.constant 0 : i32
          %dma_start3A_464 = tpu.memref_slice %arg6[%run_scoped3A_350, %dma_start3A_462, %dma_start3A_463] : memref<2x4x128xi32, #tpu.memory_space<vmem>> -> memref<1x4x128xi32, #tpu.memory_space<vmem>>
          %dma_start3A_465 = tpu.memref_squeeze %dma_start3A_464 : memref<1x4x128xi32, #tpu.memory_space<vmem>> -> memref<4x128xi32, #tpu.memory_space<vmem>>
          %dma_start3A_466 = arith.constant 0 : i32
          %dma_start3A_467 = tpu.memref_slice %arg2[%add3A_349, %dma_start3A_466] : memref<6408x128xi32, #tpu.memory_space<hbm>> -> memref<4x128xi32, #tpu.memory_space<hbm>>
          tpu.enqueue_dma source(%dma_start3A_467 : memref<4x128xi32, #tpu.memory_space<hbm>>) target(%dma_start3A_465 : memref<4x128xi32, #tpu.memory_space<vmem>>) target_semaphore(%run_scoped3A_455 : memref<!tpu.dma_semaphore, #tpu.memory_space<semaphore_mem>>)
          %dma_wait3A_468 = arith.constant 0 : i32
          %dma_wait3A_469 = arith.constant 0 : i32
          %dma_wait3A_470 = tpu.memref_slice %arg6[%run_scoped3A_350, %dma_wait3A_468, %dma_wait3A_469] : memref<2x4x128xi32, #tpu.memory_space<vmem>> -> memref<1x4x128xi32, #tpu.memory_space<vmem>>
          %dma_wait3A_471 = tpu.memref_squeeze %dma_wait3A_470 : memref<1x4x128xi32, #tpu.memory_space<vmem>> -> memref<4x128xi32, #tpu.memory_space<vmem>>
          %dma_wait3A_472 = arith.constant 0 : i32
          %dma_wait3A_473 = tpu.memref_slice %arg2[%add3A_349, %dma_wait3A_472] : memref<6408x128xi32, #tpu.memory_space<hbm>> -> memref<4x128xi32, #tpu.memory_space<hbm>>
          %dma_wait3A_474 = arith.constant 0 : i32
          %dma_wait3A_475 = arith.constant 0 : i32
          %dma_wait3A_476 = tpu.memref_slice %arg6[%run_scoped3A_350, %dma_wait3A_474, %dma_wait3A_475] : memref<2x4x128xi32, #tpu.memory_space<vmem>> -> memref<1x4x128xi32, #tpu.memory_space<vmem>>
          %dma_wait3A_477 = tpu.memref_squeeze %dma_wait3A_476 : memref<1x4x128xi32, #tpu.memory_space<vmem>> -> memref<4x128xi32, #tpu.memory_space<vmem>>
          %dma_wait3A_478 = arith.constant 0 : i32
          %dma_wait3A_479 = tpu.memref_slice %arg2[%add3A_349, %dma_wait3A_478] : memref<6408x128xi32, #tpu.memory_space<hbm>> -> memref<4x128xi32, #tpu.memory_space<hbm>>
          tpu.wait_dma2 semaphore(%run_scoped3A_455 : memref<!tpu.dma_semaphore, #tpu.memory_space<semaphore_mem>>) src(%dma_wait3A_479 : memref<4x128xi32, #tpu.memory_space<hbm>>) dst(%dma_wait3A_477 : memref<4x128xi32, #tpu.memory_space<vmem>>)
          tpu.yield
        }) : () -> ()
        %dma_start3A_351 = arith.constant 0 : i32
        %dma_start3A_352 = arith.constant 0 : i32
        %dma_start3A_353 = arith.constant 0 : i32
        %dma_start3A_354 = arith.constant 0 : i32
        %dma_start3A_355 = arith.constant 0 : i32
        %dma_start3A_356 = tpu.memref_slice %arg7[%dma_start3A_353, %dma_start3A_354, %dma_start3A_355] : memref<2x512x64xf32, #tpu.memory_space<vmem>> -> memref<1x128x64xf32, #tpu.memory_space<vmem>>
        %dma_start3A_357 = tpu.memref_squeeze %dma_start3A_356 : memref<1x128x64xf32, #tpu.memory_space<vmem>> -> memref<128x64xf32, #tpu.memory_space<vmem>>
        %dma_start3A_358 = arith.constant 0 : i32
        %dma_start3A_359 = tpu.memref_slice %arg6[%dma_start3A_351, %dma_start3A_352, %dma_start3A_358] : memref<2x4x128xi32, #tpu.memory_space<vmem>> -> memref<1x1x128xi32, #tpu.memory_space<vmem>>
        %dma_start3A_360 = tpu.memref_squeeze %dma_start3A_359 : memref<1x1x128xi32, #tpu.memory_space<vmem>> -> memref<128xi32, #tpu.memory_space<vmem>>
        %dma_start3A_361 = arith.constant 0 : i32
        %dma_start3A_362 = arith.constant 0 : i32
        %dma_start3A_363 = tpu.memref_slice %arg4[%dma_start3A_361, %dma_start3A_362] : memref<1000000x64xf32, #tpu.memory_space<hbm>> -> memref<1000000x64xf32, #tpu.memory_space<hbm>>
        tpu.enqueue_indirect_dma source(%dma_start3A_363 : memref<1000000x64xf32, #tpu.memory_space<hbm>>) target(%dma_start3A_357 : memref<128x64xf32, #tpu.memory_space<vmem>>) offsets(%dma_start3A_360 : memref<128xi32, #tpu.memory_space<vmem>>) semaphore(%arg10 : memref<!tpu.dma_semaphore, #tpu.memory_space<semaphore_mem>>)
        %dma_start3A_364 = arith.constant 0 : i32
        %dma_start3A_365 = arith.constant 1 : i32
        %dma_start3A_366 = arith.constant 0 : i32
        %dma_start3A_367 = arith.constant 128 : i32
        %dma_start3A_368 = arith.constant 0 : i32
        %dma_start3A_369 = tpu.memref_slice %arg7[%dma_start3A_366, %dma_start3A_367, %dma_start3A_368] : memref<2x512x64xf32, #tpu.memory_space<vmem>> -> memref<1x128x64xf32, #tpu.memory_space<vmem>>
        %dma_start3A_370 = tpu.memref_squeeze %dma_start3A_369 : memref<1x128x64xf32, #tpu.memory_space<vmem>> -> memref<128x64xf32, #tpu.memory_space<vmem>>
        %dma_start3A_371 = arith.constant 0 : i32
        %dma_start3A_372 = tpu.memref_slice %arg6[%dma_start3A_364, %dma_start3A_365, %dma_start3A_371] : memref<2x4x128xi32, #tpu.memory_space<vmem>> -> memref<1x1x128xi32, #tpu.memory_space<vmem>>
        %dma_start3A_373 = tpu.memref_squeeze %dma_start3A_372 : memref<1x1x128xi32, #tpu.memory_space<vmem>> -> memref<128xi32, #tpu.memory_space<vmem>>
        %dma_start3A_374 = arith.constant 0 : i32
        %dma_start3A_375 = arith.constant 0 : i32
        %dma_start3A_376 = tpu.memref_slice %arg4[%dma_start3A_374, %dma_start3A_375] : memref<1000000x64xf32, #tpu.memory_space<hbm>> -> memref<1000000x64xf32, #tpu.memory_space<hbm>>
        tpu.enqueue_indirect_dma source(%dma_start3A_376 : memref<1000000x64xf32, #tpu.memory_space<hbm>>) target(%dma_start3A_370 : memref<128x64xf32, #tpu.memory_space<vmem>>) offsets(%dma_start3A_373 : memref<128xi32, #tpu.memory_space<vmem>>) semaphore(%arg10 : memref<!tpu.dma_semaphore, #tpu.memory_space<semaphore_mem>>)
        %dma_start3A_377 = arith.constant 0 : i32
        %dma_start3A_378 = arith.constant 2 : i32
        %dma_start3A_379 = arith.constant 0 : i32
        %dma_start3A_380 = arith.constant 256 : i32
        %dma_start3A_381 = arith.constant 0 : i32
        %dma_start3A_382 = tpu.memref_slice %arg7[%dma_start3A_379, %dma_start3A_380, %dma_start3A_381] : memref<2x512x64xf32, #tpu.memory_space<vmem>> -> memref<1x128x64xf32, #tpu.memory_space<vmem>>
        %dma_start3A_383 = tpu.memref_squeeze %dma_start3A_382 : memref<1x128x64xf32, #tpu.memory_space<vmem>> -> memref<128x64xf32, #tpu.memory_space<vmem>>
        %dma_start3A_384 = arith.constant 0 : i32
        %dma_start3A_385 = tpu.memref_slice %arg6[%dma_start3A_377, %dma_start3A_378, %dma_start3A_384] : memref<2x4x128xi32, #tpu.memory_space<vmem>> -> memref<1x1x128xi32, #tpu.memory_space<vmem>>
        %dma_start3A_386 = tpu.memref_squeeze %dma_start3A_385 : memref<1x1x128xi32, #tpu.memory_space<vmem>> -> memref<128xi32, #tpu.memory_space<vmem>>
        %dma_start3A_387 = arith.constant 0 : i32
        %dma_start3A_388 = arith.constant 0 : i32
        %dma_start3A_389 = tpu.memref_slice %arg4[%dma_start3A_387, %dma_start3A_388] : memref<1000000x64xf32, #tpu.memory_space<hbm>> -> memref<1000000x64xf32, #tpu.memory_space<hbm>>
        tpu.enqueue_indirect_dma source(%dma_start3A_389 : memref<1000000x64xf32, #tpu.memory_space<hbm>>) target(%dma_start3A_383 : memref<128x64xf32, #tpu.memory_space<vmem>>) offsets(%dma_start3A_386 : memref<128xi32, #tpu.memory_space<vmem>>) semaphore(%arg10 : memref<!tpu.dma_semaphore, #tpu.memory_space<semaphore_mem>>)
        %dma_start3A_390 = arith.constant 0 : i32
        %dma_start3A_391 = arith.constant 3 : i32
        %dma_start3A_392 = arith.constant 0 : i32
        %dma_start3A_393 = arith.constant 384 : i32
        %dma_start3A_394 = arith.constant 0 : i32
        %dma_start3A_395 = tpu.memref_slice %arg7[%dma_start3A_392, %dma_start3A_393, %dma_start3A_394] : memref<2x512x64xf32, #tpu.memory_space<vmem>> -> memref<1x128x64xf32, #tpu.memory_space<vmem>>
        %dma_start3A_396 = tpu.memref_squeeze %dma_start3A_395 : memref<1x128x64xf32, #tpu.memory_space<vmem>> -> memref<128x64xf32, #tpu.memory_space<vmem>>
        %dma_start3A_397 = arith.constant 0 : i32
        %dma_start3A_398 = tpu.memref_slice %arg6[%dma_start3A_390, %dma_start3A_391, %dma_start3A_397] : memref<2x4x128xi32, #tpu.memory_space<vmem>> -> memref<1x1x128xi32, #tpu.memory_space<vmem>>
        %dma_start3A_399 = tpu.memref_squeeze %dma_start3A_398 : memref<1x1x128xi32, #tpu.memory_space<vmem>> -> memref<128xi32, #tpu.memory_space<vmem>>
        %dma_start3A_400 = arith.constant 0 : i32
        %dma_start3A_401 = arith.constant 0 : i32
        %dma_start3A_402 = tpu.memref_slice %arg4[%dma_start3A_400, %dma_start3A_401] : memref<1000000x64xf32, #tpu.memory_space<hbm>> -> memref<1000000x64xf32, #tpu.memory_space<hbm>>
        tpu.enqueue_indirect_dma source(%dma_start3A_402 : memref<1000000x64xf32, #tpu.memory_space<hbm>>) target(%dma_start3A_396 : memref<128x64xf32, #tpu.memory_space<vmem>>) offsets(%dma_start3A_399 : memref<128xi32, #tpu.memory_space<vmem>>) semaphore(%arg10 : memref<!tpu.dma_semaphore, #tpu.memory_space<semaphore_mem>>)
        %dma_wait3A_403 = arith.constant 1 : i32
        %dma_wait3A_404 = arith.constant 0 : i32
        %dma_wait3A_405 = arith.constant 1 : i32
        %dma_wait3A_406 = arith.constant 0 : i32
        %dma_wait3A_407 = arith.constant 0 : i32
        %dma_wait3A_408 = tpu.memref_slice %arg7[%dma_wait3A_405, %dma_wait3A_406, %dma_wait3A_407] : memref<2x512x64xf32, #tpu.memory_space<vmem>> -> memref<1x128x64xf32, #tpu.memory_space<vmem>>
        %dma_wait3A_409 = tpu.memref_squeeze %dma_wait3A_408 : memref<1x128x64xf32, #tpu.memory_space<vmem>> -> memref<128x64xf32, #tpu.memory_space<vmem>>
        %dma_wait3A_410 = arith.constant 0 : i32
        %dma_wait3A_411 = tpu.memref_slice %arg6[%dma_wait3A_403, %dma_wait3A_404, %dma_wait3A_410] : memref<2x4x128xi32, #tpu.memory_space<vmem>> -> memref<1x1x128xi32, #tpu.memory_space<vmem>>
        %dma_wait3A_412 = tpu.memref_squeeze %dma_wait3A_411 : memref<1x1x128xi32, #tpu.memory_space<vmem>> -> memref<128xi32, #tpu.memory_space<vmem>>
        %dma_wait3A_413 = arith.constant 0 : i32
        %dma_wait3A_414 = arith.constant 0 : i32
        %dma_wait3A_415 = tpu.memref_slice %arg4[%dma_wait3A_413, %dma_wait3A_414] : memref<1000000x64xf32, #tpu.memory_space<hbm>> -> memref<1000000x64xf32, #tpu.memory_space<hbm>>
        tpu.wait_indirect_dma semaphore(%arg11 : memref<!tpu.dma_semaphore, #tpu.memory_space<semaphore_mem>>) src(%dma_wait3A_415 : memref<1000000x64xf32, #tpu.memory_space<hbm>>) dst(%dma_wait3A_409 : memref<128x64xf32, #tpu.memory_space<vmem>>)
        %dma_wait3A_416 = arith.constant 1 : i32
        %dma_wait3A_417 = arith.constant 1 : i32
        %dma_wait3A_418 = arith.constant 1 : i32
        %dma_wait3A_419 = arith.constant 128 : i32
        %dma_wait3A_420 = arith.constant 0 : i32
        %dma_wait3A_421 = tpu.memref_slice %arg7[%dma_wait3A_418, %dma_wait3A_419, %dma_wait3A_420] : memref<2x512x64xf32, #tpu.memory_space<vmem>> -> memref<1x128x64xf32, #tpu.memory_space<vmem>>
        %dma_wait3A_422 = tpu.memref_squeeze %dma_wait3A_421 : memref<1x128x64xf32, #tpu.memory_space<vmem>> -> memref<128x64xf32, #tpu.memory_space<vmem>>
        %dma_wait3A_423 = arith.constant 0 : i32
        %dma_wait3A_424 = tpu.memref_slice %arg6[%dma_wait3A_416, %dma_wait3A_417, %dma_wait3A_423] : memref<2x4x128xi32, #tpu.memory_space<vmem>> -> memref<1x1x128xi32, #tpu.memory_space<vmem>>
        %dma_wait3A_425 = tpu.memref_squeeze %dma_wait3A_424 : memref<1x1x128xi32, #tpu.memory_space<vmem>> -> memref<128xi32, #tpu.memory_space<vmem>>
        %dma_wait3A_426 = arith.constant 0 : i32
        %dma_wait3A_427 = arith.constant 0 : i32
        %dma_wait3A_428 = tpu.memref_slice %arg4[%dma_wait3A_426, %dma_wait3A_427] : memref<1000000x64xf32, #tpu.memory_space<hbm>> -> memref<1000000x64xf32, #tpu.memory_space<hbm>>
        tpu.wait_indirect_dma semaphore(%arg11 : memref<!tpu.dma_semaphore, #tpu.memory_space<semaphore_mem>>) src(%dma_wait3A_428 : memref<1000000x64xf32, #tpu.memory_space<hbm>>) dst(%dma_wait3A_422 : memref<128x64xf32, #tpu.memory_space<vmem>>)
        %dma_wait3A_429 = arith.constant 1 : i32
        %dma_wait3A_430 = arith.constant 2 : i32
        %dma_wait3A_431 = arith.constant 1 : i32
        %dma_wait3A_432 = arith.constant 256 : i32
        %dma_wait3A_433 = arith.constant 0 : i32
        %dma_wait3A_434 = tpu.memref_slice %arg7[%dma_wait3A_431, %dma_wait3A_432, %dma_wait3A_433] : memref<2x512x64xf32, #tpu.memory_space<vmem>> -> memref<1x128x64xf32, #tpu.memory_space<vmem>>
        %dma_wait3A_435 = tpu.memref_squeeze %dma_wait3A_434 : memref<1x128x64xf32, #tpu.memory_space<vmem>> -> memref<128x64xf32, #tpu.memory_space<vmem>>
        %dma_wait3A_436 = arith.constant 0 : i32
        %dma_wait3A_437 = tpu.memref_slice %arg6[%dma_wait3A_429, %dma_wait3A_430, %dma_wait3A_436] : memref<2x4x128xi32, #tpu.memory_space<vmem>> -> memref<1x1x128xi32, #tpu.memory_space<vmem>>
        %dma_wait3A_438 = tpu.memref_squeeze %dma_wait3A_437 : memref<1x1x128xi32, #tpu.memory_space<vmem>> -> memref<128xi32, #tpu.memory_space<vmem>>
        %dma_wait3A_439 = arith.constant 0 : i32
        %dma_wait3A_440 = arith.constant 0 : i32
        %dma_wait3A_441 = tpu.memref_slice %arg4[%dma_wait3A_439, %dma_wait3A_440] : memref<1000000x64xf32, #tpu.memory_space<hbm>> -> memref<1000000x64xf32, #tpu.memory_space<hbm>>
        tpu.wait_indirect_dma semaphore(%arg11 : memref<!tpu.dma_semaphore, #tpu.memory_space<semaphore_mem>>) src(%dma_wait3A_441 : memref<1000000x64xf32, #tpu.memory_space<hbm>>) dst(%dma_wait3A_435 : memref<128x64xf32, #tpu.memory_space<vmem>>)
        %dma_wait3A_442 = arith.constant 1 : i32
        %dma_wait3A_443 = arith.constant 3 : i32
        %dma_wait3A_444 = arith.constant 1 : i32
        %dma_wait3A_445 = arith.constant 384 : i32
        %dma_wait3A_446 = arith.constant 0 : i32
        %dma_wait3A_447 = tpu.memref_slice %arg7[%dma_wait3A_444, %dma_wait3A_445, %dma_wait3A_446] : memref<2x512x64xf32, #tpu.memory_space<vmem>> -> memref<1x128x64xf32, #tpu.memory_space<vmem>>
        %dma_wait3A_448 = tpu.memref_squeeze %dma_wait3A_447 : memref<1x128x64xf32, #tpu.memory_space<vmem>> -> memref<128x64xf32, #tpu.memory_space<vmem>>
        %dma_wait3A_449 = arith.constant 0 : i32
        %dma_wait3A_450 = tpu.memref_slice %arg6[%dma_wait3A_442, %dma_wait3A_443, %dma_wait3A_449] : memref<2x4x128xi32, #tpu.memory_space<vmem>> -> memref<1x1x128xi32, #tpu.memory_space<vmem>>
        %dma_wait3A_451 = tpu.memref_squeeze %dma_wait3A_450 : memref<1x1x128xi32, #tpu.memory_space<vmem>> -> memref<128xi32, #tpu.memory_space<vmem>>
        %dma_wait3A_452 = arith.constant 0 : i32
        %dma_wait3A_453 = arith.constant 0 : i32
        %dma_wait3A_454 = tpu.memref_slice %arg4[%dma_wait3A_452, %dma_wait3A_453] : memref<1000000x64xf32, #tpu.memory_space<hbm>> -> memref<1000000x64xf32, #tpu.memory_space<hbm>>
        tpu.wait_indirect_dma semaphore(%arg11 : memref<!tpu.dma_semaphore, #tpu.memory_space<semaphore_mem>>) src(%dma_wait3A_454 : memref<1000000x64xf32, #tpu.memory_space<hbm>>) dst(%dma_wait3A_448 : memref<128x64xf32, #tpu.memory_space<vmem>>)
      } else {
      }
      %eq3A_333 = arith.constant 1 : i32
      %eq3A_334 = arith.cmpi eq, %and3A_279, %eq3A_333 : i32
      %and3A_335 = arith.andi %and3A_326, %eq3A_334 : i1
      %convert_element_type3A_336 = arith.extui %and3A_335 : i1 to i32
      %cond3A_337 = arith.constant 0 : i32
      %cond3A_338 = arith.cmpi ne, %convert_element_type3A_336, %cond3A_337 : i32
      scf.if %cond3A_338 {
        %add3A_345 = arith.constant 2 : i32
        %add3A_346 = arith.addi %while3A_276, %add3A_345 : i32
        %mul3A_347 = arith.constant 4 : i32
        %mul3A_348 = arith.muli %add3A_346, %mul3A_347 : i32
        %add3A_349 = arith.addi %select_n3A, %mul3A_348 : i32
        %run_scoped3A_350 = arith.constant 1 : i32
        "tpu.region"() ({
          %run_scoped3A_455 = tpu.sem_alloc : memref<!tpu.dma_semaphore, #tpu.memory_space<semaphore_mem>>
          %dma_start3A_456 = arith.constant 0 : i32
          %dma_start3A_457 = arith.constant 0 : i32
          %dma_start3A_458 = tpu.memref_slice %arg6[%run_scoped3A_350, %dma_start3A_456, %dma_start3A_457] : memref<2x4x128xi32, #tpu.memory_space<vmem>> -> memref<1x4x128xi32, #tpu.memory_space<vmem>>
          %dma_start3A_459 = tpu.memref_squeeze %dma_start3A_458 : memref<1x4x128xi32, #tpu.memory_space<vmem>> -> memref<4x128xi32, #tpu.memory_space<vmem>>
          %dma_start3A_460 = arith.constant 0 : i32
          %dma_start3A_461 = tpu.memref_slice %arg2[%add3A_349, %dma_start3A_460] : memref<6408x128xi32, #tpu.memory_space<hbm>> -> memref<4x128xi32, #tpu.memory_space<hbm>>
          %dma_start3A_462 = arith.constant 0 : i32
          %dma_start3A_463 = arith.constant 0 : i32
          %dma_start3A_464 = tpu.memref_slice %arg6[%run_scoped3A_350, %dma_start3A_462, %dma_start3A_463] : memref<2x4x128xi32, #tpu.memory_space<vmem>> -> memref<1x4x128xi32, #tpu.memory_space<vmem>>
          %dma_start3A_465 = tpu.memref_squeeze %dma_start3A_464 : memref<1x4x128xi32, #tpu.memory_space<vmem>> -> memref<4x128xi32, #tpu.memory_space<vmem>>
          %dma_start3A_466 = arith.constant 0 : i32
          %dma_start3A_467 = tpu.memref_slice %arg2[%add3A_349, %dma_start3A_466] : memref<6408x128xi32, #tpu.memory_space<hbm>> -> memref<4x128xi32, #tpu.memory_space<hbm>>
          tpu.enqueue_dma source(%dma_start3A_467 : memref<4x128xi32, #tpu.memory_space<hbm>>) target(%dma_start3A_465 : memref<4x128xi32, #tpu.memory_space<vmem>>) target_semaphore(%run_scoped3A_455 : memref<!tpu.dma_semaphore, #tpu.memory_space<semaphore_mem>>)
          %dma_wait3A_468 = arith.constant 0 : i32
          %dma_wait3A_469 = arith.constant 0 : i32
          %dma_wait3A_470 = tpu.memref_slice %arg6[%run_scoped3A_350, %dma_wait3A_468, %dma_wait3A_469] : memref<2x4x128xi32, #tpu.memory_space<vmem>> -> memref<1x4x128xi32, #tpu.memory_space<vmem>>
          %dma_wait3A_471 = tpu.memref_squeeze %dma_wait3A_470 : memref<1x4x128xi32, #tpu.memory_space<vmem>> -> memref<4x128xi32, #tpu.memory_space<vmem>>
          %dma_wait3A_472 = arith.constant 0 : i32
          %dma_wait3A_473 = tpu.memref_slice %arg2[%add3A_349, %dma_wait3A_472] : memref<6408x128xi32, #tpu.memory_space<hbm>> -> memref<4x128xi32, #tpu.memory_space<hbm>>
          %dma_wait3A_474 = arith.constant 0 : i32
          %dma_wait3A_475 = arith.constant 0 : i32
          %dma_wait3A_476 = tpu.memref_slice %arg6[%run_scoped3A_350, %dma_wait3A_474, %dma_wait3A_475] : memref<2x4x128xi32, #tpu.memory_space<vmem>> -> memref<1x4x128xi32, #tpu.memory_space<vmem>>
          %dma_wait3A_477 = tpu.memref_squeeze %dma_wait3A_476 : memref<1x4x128xi32, #tpu.memory_space<vmem>> -> memref<4x128xi32, #tpu.memory_space<vmem>>
          %dma_wait3A_478 = arith.constant 0 : i32
          %dma_wait3A_479 = tpu.memref_slice %arg2[%add3A_349, %dma_wait3A_478] : memref<6408x128xi32, #tpu.memory_space<hbm>> -> memref<4x128xi32, #tpu.memory_space<hbm>>
          tpu.wait_dma2 semaphore(%run_scoped3A_455 : memref<!tpu.dma_semaphore, #tpu.memory_space<semaphore_mem>>) src(%dma_wait3A_479 : memref<4x128xi32, #tpu.memory_space<hbm>>) dst(%dma_wait3A_477 : memref<4x128xi32, #tpu.memory_space<vmem>>)
          tpu.yield
        }) : () -> ()
        %dma_start3A_351 = arith.constant 1 : i32
        %dma_start3A_352 = arith.constant 0 : i32
        %dma_start3A_353 = arith.constant 1 : i32
        %dma_start3A_354 = arith.constant 0 : i32
        %dma_start3A_355 = arith.constant 0 : i32
        %dma_start3A_356 = tpu.memref_slice %arg7[%dma_start3A_353, %dma_start3A_354, %dma_start3A_355] : memref<2x512x64xf32, #tpu.memory_space<vmem>> -> memref<1x128x64xf32, #tpu.memory_space<vmem>>
        %dma_start3A_357 = tpu.memref_squeeze %dma_start3A_356 : memref<1x128x64xf32, #tpu.memory_space<vmem>> -> memref<128x64xf32, #tpu.memory_space<vmem>>
        %dma_start3A_358 = arith.constant 0 : i32
        %dma_start3A_359 = tpu.memref_slice %arg6[%dma_start3A_351, %dma_start3A_352, %dma_start3A_358] : memref<2x4x128xi32, #tpu.memory_space<vmem>> -> memref<1x1x128xi32, #tpu.memory_space<vmem>>
        %dma_start3A_360 = tpu.memref_squeeze %dma_start3A_359 : memref<1x1x128xi32, #tpu.memory_space<vmem>> -> memref<128xi32, #tpu.memory_space<vmem>>
        %dma_start3A_361 = arith.constant 0 : i32
        %dma_start3A_362 = arith.constant 0 : i32
        %dma_start3A_363 = tpu.memref_slice %arg4[%dma_start3A_361, %dma_start3A_362] : memref<1000000x64xf32, #tpu.memory_space<hbm>> -> memref<1000000x64xf32, #tpu.memory_space<hbm>>
        tpu.enqueue_indirect_dma source(%dma_start3A_363 : memref<1000000x64xf32, #tpu.memory_space<hbm>>) target(%dma_start3A_357 : memref<128x64xf32, #tpu.memory_space<vmem>>) offsets(%dma_start3A_360 : memref<128xi32, #tpu.memory_space<vmem>>) semaphore(%arg11 : memref<!tpu.dma_semaphore, #tpu.memory_space<semaphore_mem>>)
        %dma_start3A_364 = arith.constant 1 : i32
        %dma_start3A_365 = arith.constant 1 : i32
        %dma_start3A_366 = arith.constant 1 : i32
        %dma_start3A_367 = arith.constant 128 : i32
        %dma_start3A_368 = arith.constant 0 : i32
        %dma_start3A_369 = tpu.memref_slice %arg7[%dma_start3A_366, %dma_start3A_367, %dma_start3A_368] : memref<2x512x64xf32, #tpu.memory_space<vmem>> -> memref<1x128x64xf32, #tpu.memory_space<vmem>>
        %dma_start3A_370 = tpu.memref_squeeze %dma_start3A_369 : memref<1x128x64xf32, #tpu.memory_space<vmem>> -> memref<128x64xf32, #tpu.memory_space<vmem>>
        %dma_start3A_371 = arith.constant 0 : i32
        %dma_start3A_372 = tpu.memref_slice %arg6[%dma_start3A_364, %dma_start3A_365, %dma_start3A_371] : memref<2x4x128xi32, #tpu.memory_space<vmem>> -> memref<1x1x128xi32, #tpu.memory_space<vmem>>
        %dma_start3A_373 = tpu.memref_squeeze %dma_start3A_372 : memref<1x1x128xi32, #tpu.memory_space<vmem>> -> memref<128xi32, #tpu.memory_space<vmem>>
        %dma_start3A_374 = arith.constant 0 : i32
        %dma_start3A_375 = arith.constant 0 : i32
        %dma_start3A_376 = tpu.memref_slice %arg4[%dma_start3A_374, %dma_start3A_375] : memref<1000000x64xf32, #tpu.memory_space<hbm>> -> memref<1000000x64xf32, #tpu.memory_space<hbm>>
        tpu.enqueue_indirect_dma source(%dma_start3A_376 : memref<1000000x64xf32, #tpu.memory_space<hbm>>) target(%dma_start3A_370 : memref<128x64xf32, #tpu.memory_space<vmem>>) offsets(%dma_start3A_373 : memref<128xi32, #tpu.memory_space<vmem>>) semaphore(%arg11 : memref<!tpu.dma_semaphore, #tpu.memory_space<semaphore_mem>>)
        %dma_start3A_377 = arith.constant 1 : i32
        %dma_start3A_378 = arith.constant 2 : i32
        %dma_start3A_379 = arith.constant 1 : i32
        %dma_start3A_380 = arith.constant 256 : i32
        %dma_start3A_381 = arith.constant 0 : i32
        %dma_start3A_382 = tpu.memref_slice %arg7[%dma_start3A_379, %dma_start3A_380, %dma_start3A_381] : memref<2x512x64xf32, #tpu.memory_space<vmem>> -> memref<1x128x64xf32, #tpu.memory_space<vmem>>
        %dma_start3A_383 = tpu.memref_squeeze %dma_start3A_382 : memref<1x128x64xf32, #tpu.memory_space<vmem>> -> memref<128x64xf32, #tpu.memory_space<vmem>>
        %dma_start3A_384 = arith.constant 0 : i32
        %dma_start3A_385 = tpu.memref_slice %arg6[%dma_start3A_377, %dma_start3A_378, %dma_start3A_384] : memref<2x4x128xi32, #tpu.memory_space<vmem>> -> memref<1x1x128xi32, #tpu.memory_space<vmem>>
        %dma_start3A_386 = tpu.memref_squeeze %dma_start3A_385 : memref<1x1x128xi32, #tpu.memory_space<vmem>> -> memref<128xi32, #tpu.memory_space<vmem>>
        %dma_start3A_387 = arith.constant 0 : i32
        %dma_start3A_388 = arith.constant 0 : i32
        %dma_start3A_389 = tpu.memref_slice %arg4[%dma_start3A_387, %dma_start3A_388] : memref<1000000x64xf32, #tpu.memory_space<hbm>> -> memref<1000000x64xf32, #tpu.memory_space<hbm>>
        tpu.enqueue_indirect_dma source(%dma_start3A_389 : memref<1000000x64xf32, #tpu.memory_space<hbm>>) target(%dma_start3A_383 : memref<128x64xf32, #tpu.memory_space<vmem>>) offsets(%dma_start3A_386 : memref<128xi32, #tpu.memory_space<vmem>>) semaphore(%arg11 : memref<!tpu.dma_semaphore, #tpu.memory_space<semaphore_mem>>)
        %dma_start3A_390 = arith.constant 1 : i32
        %dma_start3A_391 = arith.constant 3 : i32
        %dma_start3A_392 = arith.constant 1 : i32
        %dma_start3A_393 = arith.constant 384 : i32
        %dma_start3A_394 = arith.constant 0 : i32
        %dma_start3A_395 = tpu.memref_slice %arg7[%dma_start3A_392, %dma_start3A_393, %dma_start3A_394] : memref<2x512x64xf32, #tpu.memory_space<vmem>> -> memref<1x128x64xf32, #tpu.memory_space<vmem>>
        %dma_start3A_396 = tpu.memref_squeeze %dma_start3A_395 : memref<1x128x64xf32, #tpu.memory_space<vmem>> -> memref<128x64xf32, #tpu.memory_space<vmem>>
        %dma_start3A_397 = arith.constant 0 : i32
        %dma_start3A_398 = tpu.memref_slice %arg6[%dma_start3A_390, %dma_start3A_391, %dma_start3A_397] : memref<2x4x128xi32, #tpu.memory_space<vmem>> -> memref<1x1x128xi32, #tpu.memory_space<vmem>>
        %dma_start3A_399 = tpu.memref_squeeze %dma_start3A_398 : memref<1x1x128xi32, #tpu.memory_space<vmem>> -> memref<128xi32, #tpu.memory_space<vmem>>
        %dma_start3A_400 = arith.constant 0 : i32
        %dma_start3A_401 = arith.constant 0 : i32
        %dma_start3A_402 = tpu.memref_slice %arg4[%dma_start3A_400, %dma_start3A_401] : memref<1000000x64xf32, #tpu.memory_space<hbm>> -> memref<1000000x64xf32, #tpu.memory_space<hbm>>
        tpu.enqueue_indirect_dma source(%dma_start3A_402 : memref<1000000x64xf32, #tpu.memory_space<hbm>>) target(%dma_start3A_396 : memref<128x64xf32, #tpu.memory_space<vmem>>) offsets(%dma_start3A_399 : memref<128xi32, #tpu.memory_space<vmem>>) semaphore(%arg11 : memref<!tpu.dma_semaphore, #tpu.memory_space<semaphore_mem>>)
        %dma_wait3A_403 = arith.constant 0 : i32
        %dma_wait3A_404 = arith.constant 0 : i32
        %dma_wait3A_405 = arith.constant 0 : i32
        %dma_wait3A_406 = arith.constant 0 : i32
        %dma_wait3A_407 = arith.constant 0 : i32
        %dma_wait3A_408 = tpu.memref_slice %arg7[%dma_wait3A_405, %dma_wait3A_406, %dma_wait3A_407] : memref<2x512x64xf32, #tpu.memory_space<vmem>> -> memref<1x128x64xf32, #tpu.memory_space<vmem>>
        %dma_wait3A_409 = tpu.memref_squeeze %dma_wait3A_408 : memref<1x128x64xf32, #tpu.memory_space<vmem>> -> memref<128x64xf32, #tpu.memory_space<vmem>>
        %dma_wait3A_410 = arith.constant 0 : i32
        %dma_wait3A_411 = tpu.memref_slice %arg6[%dma_wait3A_403, %dma_wait3A_404, %dma_wait3A_410] : memref<2x4x128xi32, #tpu.memory_space<vmem>> -> memref<1x1x128xi32, #tpu.memory_space<vmem>>
        %dma_wait3A_412 = tpu.memref_squeeze %dma_wait3A_411 : memref<1x1x128xi32, #tpu.memory_space<vmem>> -> memref<128xi32, #tpu.memory_space<vmem>>
        %dma_wait3A_413 = arith.constant 0 : i32
        %dma_wait3A_414 = arith.constant 0 : i32
        %dma_wait3A_415 = tpu.memref_slice %arg4[%dma_wait3A_413, %dma_wait3A_414] : memref<1000000x64xf32, #tpu.memory_space<hbm>> -> memref<1000000x64xf32, #tpu.memory_space<hbm>>
        tpu.wait_indirect_dma semaphore(%arg10 : memref<!tpu.dma_semaphore, #tpu.memory_space<semaphore_mem>>) src(%dma_wait3A_415 : memref<1000000x64xf32, #tpu.memory_space<hbm>>) dst(%dma_wait3A_409 : memref<128x64xf32, #tpu.memory_space<vmem>>)
        %dma_wait3A_416 = arith.constant 0 : i32
        %dma_wait3A_417 = arith.constant 1 : i32
        %dma_wait3A_418 = arith.constant 0 : i32
        %dma_wait3A_419 = arith.constant 128 : i32
        %dma_wait3A_420 = arith.constant 0 : i32
        %dma_wait3A_421 = tpu.memref_slice %arg7[%dma_wait3A_418, %dma_wait3A_419, %dma_wait3A_420] : memref<2x512x64xf32, #tpu.memory_space<vmem>> -> memref<1x128x64xf32, #tpu.memory_space<vmem>>
        %dma_wait3A_422 = tpu.memref_squeeze %dma_wait3A_421 : memref<1x128x64xf32, #tpu.memory_space<vmem>> -> memref<128x64xf32, #tpu.memory_space<vmem>>
        %dma_wait3A_423 = arith.constant 0 : i32
        %dma_wait3A_424 = tpu.memref_slice %arg6[%dma_wait3A_416, %dma_wait3A_417, %dma_wait3A_423] : memref<2x4x128xi32, #tpu.memory_space<vmem>> -> memref<1x1x128xi32, #tpu.memory_space<vmem>>
        %dma_wait3A_425 = tpu.memref_squeeze %dma_wait3A_424 : memref<1x1x128xi32, #tpu.memory_space<vmem>> -> memref<128xi32, #tpu.memory_space<vmem>>
        %dma_wait3A_426 = arith.constant 0 : i32
        %dma_wait3A_427 = arith.constant 0 : i32
        %dma_wait3A_428 = tpu.memref_slice %arg4[%dma_wait3A_426, %dma_wait3A_427] : memref<1000000x64xf32, #tpu.memory_space<hbm>> -> memref<1000000x64xf32, #tpu.memory_space<hbm>>
        tpu.wait_indirect_dma semaphore(%arg10 : memref<!tpu.dma_semaphore, #tpu.memory_space<semaphore_mem>>) src(%dma_wait3A_428 : memref<1000000x64xf32, #tpu.memory_space<hbm>>) dst(%dma_wait3A_422 : memref<128x64xf32, #tpu.memory_space<vmem>>)
        %dma_wait3A_429 = arith.constant 0 : i32
        %dma_wait3A_430 = arith.constant 2 : i32
        %dma_wait3A_431 = arith.constant 0 : i32
        %dma_wait3A_432 = arith.constant 256 : i32
        %dma_wait3A_433 = arith.constant 0 : i32
        %dma_wait3A_434 = tpu.memref_slice %arg7[%dma_wait3A_431, %dma_wait3A_432, %dma_wait3A_433] : memref<2x512x64xf32, #tpu.memory_space<vmem>> -> memref<1x128x64xf32, #tpu.memory_space<vmem>>
        %dma_wait3A_435 = tpu.memref_squeeze %dma_wait3A_434 : memref<1x128x64xf32, #tpu.memory_space<vmem>> -> memref<128x64xf32, #tpu.memory_space<vmem>>
        %dma_wait3A_436 = arith.constant 0 : i32
        %dma_wait3A_437 = tpu.memref_slice %arg6[%dma_wait3A_429, %dma_wait3A_430, %dma_wait3A_436] : memref<2x4x128xi32, #tpu.memory_space<vmem>> -> memref<1x1x128xi32, #tpu.memory_space<vmem>>
        %dma_wait3A_438 = tpu.memref_squeeze %dma_wait3A_437 : memref<1x1x128xi32, #tpu.memory_space<vmem>> -> memref<128xi32, #tpu.memory_space<vmem>>
        %dma_wait3A_439 = arith.constant 0 : i32
        %dma_wait3A_440 = arith.constant 0 : i32
        %dma_wait3A_441 = tpu.memref_slice %arg4[%dma_wait3A_439, %dma_wait3A_440] : memref<1000000x64xf32, #tpu.memory_space<hbm>> -> memref<1000000x64xf32, #tpu.memory_space<hbm>>
        tpu.wait_indirect_dma semaphore(%arg10 : memref<!tpu.dma_semaphore, #tpu.memory_space<semaphore_mem>>) src(%dma_wait3A_441 : memref<1000000x64xf32, #tpu.memory_space<hbm>>) dst(%dma_wait3A_435 : memref<128x64xf32, #tpu.memory_space<vmem>>)
        %dma_wait3A_442 = arith.constant 0 : i32
        %dma_wait3A_443 = arith.constant 3 : i32
        %dma_wait3A_444 = arith.constant 0 : i32
        %dma_wait3A_445 = arith.constant 384 : i32
        %dma_wait3A_446 = arith.constant 0 : i32
        %dma_wait3A_447 = tpu.memref_slice %arg7[%dma_wait3A_444, %dma_wait3A_445, %dma_wait3A_446] : memref<2x512x64xf32, #tpu.memory_space<vmem>> -> memref<1x128x64xf32, #tpu.memory_space<vmem>>
        %dma_wait3A_448 = tpu.memref_squeeze %dma_wait3A_447 : memref<1x128x64xf32, #tpu.memory_space<vmem>> -> memref<128x64xf32, #tpu.memory_space<vmem>>
        %dma_wait3A_449 = arith.constant 0 : i32
        %dma_wait3A_450 = tpu.memref_slice %arg6[%dma_wait3A_442, %dma_wait3A_443, %dma_wait3A_449] : memref<2x4x128xi32, #tpu.memory_space<vmem>> -> memref<1x1x128xi32, #tpu.memory_space<vmem>>
        %dma_wait3A_451 = tpu.memref_squeeze %dma_wait3A_450 : memref<1x1x128xi32, #tpu.memory_space<vmem>> -> memref<128xi32, #tpu.memory_space<vmem>>
        %dma_wait3A_452 = arith.constant 0 : i32
        %dma_wait3A_453 = arith.constant 0 : i32
        %dma_wait3A_454 = tpu.memref_slice %arg4[%dma_wait3A_452, %dma_wait3A_453] : memref<1000000x64xf32, #tpu.memory_space<hbm>> -> memref<1000000x64xf32, #tpu.memory_space<hbm>>
        tpu.wait_indirect_dma semaphore(%arg10 : memref<!tpu.dma_semaphore, #tpu.memory_space<semaphore_mem>>) src(%dma_wait3A_454 : memref<1000000x64xf32, #tpu.memory_space<hbm>>) dst(%dma_wait3A_448 : memref<128x64xf32, #tpu.memory_space<vmem>>)
      } else {
      }
      %add3A_339 = arith.constant 1 : i32
      %add3A_340 = arith.addi %while3A_276, %add3A_339 : i32
      %select_n3A_341 = arith.select %le3A, %while3A_276, %add3A_340 : i32
      %add3A_342 = arith.constant 1 : i32
      %add3A_343 = arith.addi %while3A_277, %add3A_342 : i32
      %select_n3A_344 = arith.select %le3A, %add3A_343, %while3A_277 : i32
      scf.yield %select_n3A_341, %select_n3A_344 : i32, i32
    }
    %while3A_242 = arith.constant 1 : i32
    %while3A_243:2 = scf.for %while3A_275 = %while3A_239 to %while3A_235 step %while3A_242 iter_args(%while3A_276 = %while3A_241#0, %while3A_277 = %while3A_241#1) -> (i32, i32)  : i32 {
      %and3A_278 = arith.constant 1 : i32
      %and3A_279 = arith.andi %while3A_276, %and3A_278 : i32
      %mul3A_280 = arith.constant 512 : i32
      %mul3A_281 = arith.muli %while3A_276, %mul3A_280 : i32
      %add3A_282 = arith.addi %mul3A_32, %mul3A_281 : i32
      %add3A_283 = arith.constant 512 : i32
      %add3A_284 = arith.addi %add3A_282, %add3A_283 : i32
      %min3A = arith.minsi %add3A_284, %squeeze3A_14 : i32
      %get3A_285 = arith.index_cast %while3A_277 : i32 to index
      %get3A_286 = tpu.vector_load %arg9[%get3A_285] {strides = array<i32>} : memref<152xi32, #tpu.memory_space<vmem>>, vector<16xi32>,
      %slice3A_287 = vector.extract_strided_slice %get3A_286 {offsets = [0], sizes = [1], strides = [1]} : vector<16xi32> to vector<1xi32>
      %squeeze3A_288 = vector.extract %slice3A_287[0] : i32 from vector<1xi32>
      %add3A_289 = arith.constant 1 : i32
      %add3A_290 = arith.addi %while3A_277, %add3A_289 : i32
      %get3A_291 = arith.index_cast %add3A_290 : i32 to index
      %get3A_292 = tpu.vector_load %arg9[%get3A_291] {strides = array<i32>} : memref<152xi32, #tpu.memory_space<vmem>>, vector<16xi32>,
      %slice3A_293 = vector.extract_strided_slice %get3A_292 {offsets = [0], sizes = [1], strides = [1]} : vector<16xi32> to vector<1xi32>
      %squeeze3A_294 = vector.extract %slice3A_293[0] : i32 from vector<1xi32>
      %max3A_295 = arith.maxsi %squeeze3A_288, %add3A_282 : i32
      %sub3A_296 = arith.subi %max3A_295, %add3A_282 : i32
      %min3A_297 = arith.minsi %squeeze3A_294, %min3A : i32
      %sub3A_298 = arith.subi %min3A_297, %add3A_282 : i32
      %get3A_299 = arith.index_cast %while3A_277 : i32 to index
      %get3A_300 = arith.constant 0 : index
      %get3A_301 = tpu.vector_load %arg8[%get3A_299, %get3A_300] {strides = array<i32>} : memref<128x64xf32, #tpu.memory_space<vmem>>, vector<16xf32>,
      %get3A_302 = arith.index_cast %while3A_277 : i32 to index
      %get3A_303 = arith.constant 16 : index
      %get3A_304 = tpu.vector_load %arg8[%get3A_302, %get3A_303] {strides = array<i32>} : memref<128x64xf32, #tpu.memory_space<vmem>>, vector<16xf32>,
      %get3A_305 = arith.index_cast %while3A_277 : i32 to index
      %get3A_306 = arith.constant 32 : index
      %get3A_307 = tpu.vector_load %arg8[%get3A_305, %get3A_306] {strides = array<i32>} : memref<128x64xf32, #tpu.memory_space<vmem>>, vector<16xf32>,
      %get3A_308 = arith.index_cast %while3A_277 : i32 to index
      %get3A_309 = arith.constant 48 : index
      %get3A_310 = tpu.vector_load %arg8[%get3A_308, %get3A_309] {strides = array<i32>} : memref<128x64xf32, #tpu.memory_space<vmem>>, vector<16xf32>,
      %parallel_loop3A = arith.constant 1 : i32
      %parallel_loop3A_311:4 = scf.for %parallel_loop3A_345 = %sub3A_296 to %sub3A_298 step %parallel_loop3A iter_args(%parallel_loop3A_346 = %get3A_301, %parallel_loop3A_347 = %get3A_304, %parallel_loop3A_348 = %get3A_307, %parallel_loop3A_349 = %get3A_310) -> (vector<16xf32>, vector<16xf32>, vector<16xf32>, vector<16xf32>)  : i32 {
        %parallel_loop3A_350 = arith.index_cast %and3A_279 : i32 to index
        %parallel_loop3A_351 = arith.index_cast %parallel_loop3A_345 : i32 to index
        %parallel_loop3A_352 = arith.constant 0 : index
        %parallel_loop3A_353 = tpu.vector_load %arg7[%parallel_loop3A_350, %parallel_loop3A_351, %parallel_loop3A_352] {strides = array<i32>} : memref<2x512x64xf32, #tpu.memory_space<vmem>>, vector<16xf32>,
        %parallel_loop3A_354 = arith.addf %parallel_loop3A_346, %parallel_loop3A_353 : vector<16xf32>
        %parallel_loop3A_355 = arith.index_cast %and3A_279 : i32 to index
        %parallel_loop3A_356 = arith.index_cast %parallel_loop3A_345 : i32 to index
        %parallel_loop3A_357 = arith.constant 16 : index
        %parallel_loop3A_358 = tpu.vector_load %arg7[%parallel_loop3A_355, %parallel_loop3A_356, %parallel_loop3A_357] {strides = array<i32>} : memref<2x512x64xf32, #tpu.memory_space<vmem>>, vector<16xf32>,
        %parallel_loop3A_359 = arith.addf %parallel_loop3A_347, %parallel_loop3A_358 : vector<16xf32>
        %parallel_loop3A_360 = arith.index_cast %and3A_279 : i32 to index
        %parallel_loop3A_361 = arith.index_cast %parallel_loop3A_345 : i32 to index
        %parallel_loop3A_362 = arith.constant 32 : index
        %parallel_loop3A_363 = tpu.vector_load %arg7[%parallel_loop3A_360, %parallel_loop3A_361, %parallel_loop3A_362] {strides = array<i32>} : memref<2x512x64xf32, #tpu.memory_space<vmem>>, vector<16xf32>,
        %parallel_loop3A_364 = arith.addf %parallel_loop3A_348, %parallel_loop3A_363 : vector<16xf32>
        %parallel_loop3A_365 = arith.index_cast %and3A_279 : i32 to index
        %parallel_loop3A_366 = arith.index_cast %parallel_loop3A_345 : i32 to index
        %parallel_loop3A_367 = arith.constant 48 : index
        %parallel_loop3A_368 = tpu.vector_load %arg7[%parallel_loop3A_365, %parallel_loop3A_366, %parallel_loop3A_367] {strides = array<i32>} : memref<2x512x64xf32, #tpu.memory_space<vmem>>, vector<16xf32>,
        %parallel_loop3A_369 = arith.addf %parallel_loop3A_349, %parallel_loop3A_368 : vector<16xf32>
        scf.yield %parallel_loop3A_354, %parallel_loop3A_359, %parallel_loop3A_364, %parallel_loop3A_369 : vector<16xf32>, vector<16xf32>, vector<16xf32>, vector<16xf32>
      } {sc.loop_unroll_factor = 4 : i64, sc.parallel_access}
      %swap3A = arith.index_cast %while3A_277 : i32 to index
      %swap3A_312 = arith.constant 0 : index
      %swap3A_313 = tpu.vector_load %arg8[%swap3A, %swap3A_312] {strides = array<i32>} : memref<128x64xf32, #tpu.memory_space<vmem>>, vector<16xf32>,
      tpu.vector_store %arg8[%swap3A, %swap3A_312], %parallel_loop3A_311#0 {strides = array<i32>} : memref<128x64xf32, #tpu.memory_space<vmem>>, vector<16xf32>,
      %swap3A_314 = arith.index_cast %while3A_277 : i32 to index
      %swap3A_315 = arith.constant 16 : index
      %swap3A_316 = tpu.vector_load %arg8[%swap3A_314, %swap3A_315] {strides = array<i32>} : memref<128x64xf32, #tpu.memory_space<vmem>>, vector<16xf32>,
      tpu.vector_store %arg8[%swap3A_314, %swap3A_315], %parallel_loop3A_311#1 {strides = array<i32>} : memref<128x64xf32, #tpu.memory_space<vmem>>, vector<16xf32>,
      %swap3A_317 = arith.index_cast %while3A_277 : i32 to index
      %swap3A_318 = arith.constant 32 : index
      %swap3A_319 = tpu.vector_load %arg8[%swap3A_317, %swap3A_318] {strides = array<i32>} : memref<128x64xf32, #tpu.memory_space<vmem>>, vector<16xf32>,
      tpu.vector_store %arg8[%swap3A_317, %swap3A_318], %parallel_loop3A_311#2 {strides = array<i32>} : memref<128x64xf32, #tpu.memory_space<vmem>>, vector<16xf32>,
      %swap3A_320 = arith.index_cast %while3A_277 : i32 to index
      %swap3A_321 = arith.constant 48 : index
      %swap3A_322 = tpu.vector_load %arg8[%swap3A_320, %swap3A_321] {strides = array<i32>} : memref<128x64xf32, #tpu.memory_space<vmem>>, vector<16xf32>,
      tpu.vector_store %arg8[%swap3A_320, %swap3A_321], %parallel_loop3A_311#3 {strides = array<i32>} : memref<128x64xf32, #tpu.memory_space<vmem>>, vector<16xf32>,
      %le3A = arith.cmpi sle, %squeeze3A_294, %min3A : i32
      %not3A = arith.constant true
      %not3A_323 = arith.xori %le3A, %not3A : i1
      %add3A_324 = arith.constant 1 : i32
      %add3A_325 = arith.addi %while3A_276, %add3A_324 : i32
      %lt3A = arith.cmpi slt, %add3A_325, %max3A_62 : i32
      %and3A_326 = arith.andi %not3A_323, %lt3A : i1
      %eq3A_327 = arith.constant 0 : i32
      %eq3A_328 = arith.cmpi eq, %and3A_279, %eq3A_327 : i32
      %and3A_329 = arith.andi %and3A_326, %eq3A_328 : i1
      %convert_element_type3A_330 = arith.extui %and3A_329 : i1 to i32
      %cond3A_331 = arith.constant 0 : i32
      %cond3A_332 = arith.cmpi ne, %convert_element_type3A_330, %cond3A_331 : i32
      scf.if %cond3A_332 {
        %add3A_345 = arith.constant 2 : i32
        %add3A_346 = arith.addi %while3A_276, %add3A_345 : i32
        %mul3A_347 = arith.constant 4 : i32
        %mul3A_348 = arith.muli %add3A_346, %mul3A_347 : i32
        %add3A_349 = arith.addi %select_n3A, %mul3A_348 : i32
        %run_scoped3A_350 = arith.constant 0 : i32
        "tpu.region"() ({
          %run_scoped3A_455 = tpu.sem_alloc : memref<!tpu.dma_semaphore, #tpu.memory_space<semaphore_mem>>
          %dma_start3A_456 = arith.constant 0 : i32
          %dma_start3A_457 = arith.constant 0 : i32
          %dma_start3A_458 = tpu.memref_slice %arg6[%run_scoped3A_350, %dma_start3A_456, %dma_start3A_457] : memref<2x4x128xi32, #tpu.memory_space<vmem>> -> memref<1x4x128xi32, #tpu.memory_space<vmem>>
          %dma_start3A_459 = tpu.memref_squeeze %dma_start3A_458 : memref<1x4x128xi32, #tpu.memory_space<vmem>> -> memref<4x128xi32, #tpu.memory_space<vmem>>
          %dma_start3A_460 = arith.constant 0 : i32
          %dma_start3A_461 = tpu.memref_slice %arg2[%add3A_349, %dma_start3A_460] : memref<6408x128xi32, #tpu.memory_space<hbm>> -> memref<4x128xi32, #tpu.memory_space<hbm>>
          %dma_start3A_462 = arith.constant 0 : i32
          %dma_start3A_463 = arith.constant 0 : i32
          %dma_start3A_464 = tpu.memref_slice %arg6[%run_scoped3A_350, %dma_start3A_462, %dma_start3A_463] : memref<2x4x128xi32, #tpu.memory_space<vmem>> -> memref<1x4x128xi32, #tpu.memory_space<vmem>>
          %dma_start3A_465 = tpu.memref_squeeze %dma_start3A_464 : memref<1x4x128xi32, #tpu.memory_space<vmem>> -> memref<4x128xi32, #tpu.memory_space<vmem>>
          %dma_start3A_466 = arith.constant 0 : i32
          %dma_start3A_467 = tpu.memref_slice %arg2[%add3A_349, %dma_start3A_466] : memref<6408x128xi32, #tpu.memory_space<hbm>> -> memref<4x128xi32, #tpu.memory_space<hbm>>
          tpu.enqueue_dma source(%dma_start3A_467 : memref<4x128xi32, #tpu.memory_space<hbm>>) target(%dma_start3A_465 : memref<4x128xi32, #tpu.memory_space<vmem>>) target_semaphore(%run_scoped3A_455 : memref<!tpu.dma_semaphore, #tpu.memory_space<semaphore_mem>>)
          %dma_wait3A_468 = arith.constant 0 : i32
          %dma_wait3A_469 = arith.constant 0 : i32
          %dma_wait3A_470 = tpu.memref_slice %arg6[%run_scoped3A_350, %dma_wait3A_468, %dma_wait3A_469] : memref<2x4x128xi32, #tpu.memory_space<vmem>> -> memref<1x4x128xi32, #tpu.memory_space<vmem>>
          %dma_wait3A_471 = tpu.memref_squeeze %dma_wait3A_470 : memref<1x4x128xi32, #tpu.memory_space<vmem>> -> memref<4x128xi32, #tpu.memory_space<vmem>>
          %dma_wait3A_472 = arith.constant 0 : i32
          %dma_wait3A_473 = tpu.memref_slice %arg2[%add3A_349, %dma_wait3A_472] : memref<6408x128xi32, #tpu.memory_space<hbm>> -> memref<4x128xi32, #tpu.memory_space<hbm>>
          %dma_wait3A_474 = arith.constant 0 : i32
          %dma_wait3A_475 = arith.constant 0 : i32
          %dma_wait3A_476 = tpu.memref_slice %arg6[%run_scoped3A_350, %dma_wait3A_474, %dma_wait3A_475] : memref<2x4x128xi32, #tpu.memory_space<vmem>> -> memref<1x4x128xi32, #tpu.memory_space<vmem>>
          %dma_wait3A_477 = tpu.memref_squeeze %dma_wait3A_476 : memref<1x4x128xi32, #tpu.memory_space<vmem>> -> memref<4x128xi32, #tpu.memory_space<vmem>>
          %dma_wait3A_478 = arith.constant 0 : i32
          %dma_wait3A_479 = tpu.memref_slice %arg2[%add3A_349, %dma_wait3A_478] : memref<6408x128xi32, #tpu.memory_space<hbm>> -> memref<4x128xi32, #tpu.memory_space<hbm>>
          tpu.wait_dma2 semaphore(%run_scoped3A_455 : memref<!tpu.dma_semaphore, #tpu.memory_space<semaphore_mem>>) src(%dma_wait3A_479 : memref<4x128xi32, #tpu.memory_space<hbm>>) dst(%dma_wait3A_477 : memref<4x128xi32, #tpu.memory_space<vmem>>)
          tpu.yield
        }) : () -> ()
        %dma_start3A_351 = arith.constant 0 : i32
        %dma_start3A_352 = arith.constant 0 : i32
        %dma_start3A_353 = arith.constant 0 : i32
        %dma_start3A_354 = arith.constant 0 : i32
        %dma_start3A_355 = arith.constant 0 : i32
        %dma_start3A_356 = tpu.memref_slice %arg7[%dma_start3A_353, %dma_start3A_354, %dma_start3A_355] : memref<2x512x64xf32, #tpu.memory_space<vmem>> -> memref<1x128x64xf32, #tpu.memory_space<vmem>>
        %dma_start3A_357 = tpu.memref_squeeze %dma_start3A_356 : memref<1x128x64xf32, #tpu.memory_space<vmem>> -> memref<128x64xf32, #tpu.memory_space<vmem>>
        %dma_start3A_358 = arith.constant 0 : i32
        %dma_start3A_359 = tpu.memref_slice %arg6[%dma_start3A_351, %dma_start3A_352, %dma_start3A_358] : memref<2x4x128xi32, #tpu.memory_space<vmem>> -> memref<1x1x128xi32, #tpu.memory_space<vmem>>
        %dma_start3A_360 = tpu.memref_squeeze %dma_start3A_359 : memref<1x1x128xi32, #tpu.memory_space<vmem>> -> memref<128xi32, #tpu.memory_space<vmem>>
        %dma_start3A_361 = arith.constant 0 : i32
        %dma_start3A_362 = arith.constant 0 : i32
        %dma_start3A_363 = tpu.memref_slice %arg4[%dma_start3A_361, %dma_start3A_362] : memref<1000000x64xf32, #tpu.memory_space<hbm>> -> memref<1000000x64xf32, #tpu.memory_space<hbm>>
        tpu.enqueue_indirect_dma source(%dma_start3A_363 : memref<1000000x64xf32, #tpu.memory_space<hbm>>) target(%dma_start3A_357 : memref<128x64xf32, #tpu.memory_space<vmem>>) offsets(%dma_start3A_360 : memref<128xi32, #tpu.memory_space<vmem>>) semaphore(%arg10 : memref<!tpu.dma_semaphore, #tpu.memory_space<semaphore_mem>>)
        %dma_start3A_364 = arith.constant 0 : i32
        %dma_start3A_365 = arith.constant 1 : i32
        %dma_start3A_366 = arith.constant 0 : i32
        %dma_start3A_367 = arith.constant 128 : i32
        %dma_start3A_368 = arith.constant 0 : i32
        %dma_start3A_369 = tpu.memref_slice %arg7[%dma_start3A_366, %dma_start3A_367, %dma_start3A_368] : memref<2x512x64xf32, #tpu.memory_space<vmem>> -> memref<1x128x64xf32, #tpu.memory_space<vmem>>
        %dma_start3A_370 = tpu.memref_squeeze %dma_start3A_369 : memref<1x128x64xf32, #tpu.memory_space<vmem>> -> memref<128x64xf32, #tpu.memory_space<vmem>>
        %dma_start3A_371 = arith.constant 0 : i32
        %dma_start3A_372 = tpu.memref_slice %arg6[%dma_start3A_364, %dma_start3A_365, %dma_start3A_371] : memref<2x4x128xi32, #tpu.memory_space<vmem>> -> memref<1x1x128xi32, #tpu.memory_space<vmem>>
        %dma_start3A_373 = tpu.memref_squeeze %dma_start3A_372 : memref<1x1x128xi32, #tpu.memory_space<vmem>> -> memref<128xi32, #tpu.memory_space<vmem>>
        %dma_start3A_374 = arith.constant 0 : i32
        %dma_start3A_375 = arith.constant 0 : i32
        %dma_start3A_376 = tpu.memref_slice %arg4[%dma_start3A_374, %dma_start3A_375] : memref<1000000x64xf32, #tpu.memory_space<hbm>> -> memref<1000000x64xf32, #tpu.memory_space<hbm>>
        tpu.enqueue_indirect_dma source(%dma_start3A_376 : memref<1000000x64xf32, #tpu.memory_space<hbm>>) target(%dma_start3A_370 : memref<128x64xf32, #tpu.memory_space<vmem>>) offsets(%dma_start3A_373 : memref<128xi32, #tpu.memory_space<vmem>>) semaphore(%arg10 : memref<!tpu.dma_semaphore, #tpu.memory_space<semaphore_mem>>)
        %dma_start3A_377 = arith.constant 0 : i32
        %dma_start3A_378 = arith.constant 2 : i32
        %dma_start3A_379 = arith.constant 0 : i32
        %dma_start3A_380 = arith.constant 256 : i32
        %dma_start3A_381 = arith.constant 0 : i32
        %dma_start3A_382 = tpu.memref_slice %arg7[%dma_start3A_379, %dma_start3A_380, %dma_start3A_381] : memref<2x512x64xf32, #tpu.memory_space<vmem>> -> memref<1x128x64xf32, #tpu.memory_space<vmem>>
        %dma_start3A_383 = tpu.memref_squeeze %dma_start3A_382 : memref<1x128x64xf32, #tpu.memory_space<vmem>> -> memref<128x64xf32, #tpu.memory_space<vmem>>
        %dma_start3A_384 = arith.constant 0 : i32
        %dma_start3A_385 = tpu.memref_slice %arg6[%dma_start3A_377, %dma_start3A_378, %dma_start3A_384] : memref<2x4x128xi32, #tpu.memory_space<vmem>> -> memref<1x1x128xi32, #tpu.memory_space<vmem>>
        %dma_start3A_386 = tpu.memref_squeeze %dma_start3A_385 : memref<1x1x128xi32, #tpu.memory_space<vmem>> -> memref<128xi32, #tpu.memory_space<vmem>>
        %dma_start3A_387 = arith.constant 0 : i32
        %dma_start3A_388 = arith.constant 0 : i32
        %dma_start3A_389 = tpu.memref_slice %arg4[%dma_start3A_387, %dma_start3A_388] : memref<1000000x64xf32, #tpu.memory_space<hbm>> -> memref<1000000x64xf32, #tpu.memory_space<hbm>>
        tpu.enqueue_indirect_dma source(%dma_start3A_389 : memref<1000000x64xf32, #tpu.memory_space<hbm>>) target(%dma_start3A_383 : memref<128x64xf32, #tpu.memory_space<vmem>>) offsets(%dma_start3A_386 : memref<128xi32, #tpu.memory_space<vmem>>) semaphore(%arg10 : memref<!tpu.dma_semaphore, #tpu.memory_space<semaphore_mem>>)
        %dma_start3A_390 = arith.constant 0 : i32
        %dma_start3A_391 = arith.constant 3 : i32
        %dma_start3A_392 = arith.constant 0 : i32
        %dma_start3A_393 = arith.constant 384 : i32
        %dma_start3A_394 = arith.constant 0 : i32
        %dma_start3A_395 = tpu.memref_slice %arg7[%dma_start3A_392, %dma_start3A_393, %dma_start3A_394] : memref<2x512x64xf32, #tpu.memory_space<vmem>> -> memref<1x128x64xf32, #tpu.memory_space<vmem>>
        %dma_start3A_396 = tpu.memref_squeeze %dma_start3A_395 : memref<1x128x64xf32, #tpu.memory_space<vmem>> -> memref<128x64xf32, #tpu.memory_space<vmem>>
        %dma_start3A_397 = arith.constant 0 : i32
        %dma_start3A_398 = tpu.memref_slice %arg6[%dma_start3A_390, %dma_start3A_391, %dma_start3A_397] : memref<2x4x128xi32, #tpu.memory_space<vmem>> -> memref<1x1x128xi32, #tpu.memory_space<vmem>>
        %dma_start3A_399 = tpu.memref_squeeze %dma_start3A_398 : memref<1x1x128xi32, #tpu.memory_space<vmem>> -> memref<128xi32, #tpu.memory_space<vmem>>
        %dma_start3A_400 = arith.constant 0 : i32
        %dma_start3A_401 = arith.constant 0 : i32
        %dma_start3A_402 = tpu.memref_slice %arg4[%dma_start3A_400, %dma_start3A_401] : memref<1000000x64xf32, #tpu.memory_space<hbm>> -> memref<1000000x64xf32, #tpu.memory_space<hbm>>
        tpu.enqueue_indirect_dma source(%dma_start3A_402 : memref<1000000x64xf32, #tpu.memory_space<hbm>>) target(%dma_start3A_396 : memref<128x64xf32, #tpu.memory_space<vmem>>) offsets(%dma_start3A_399 : memref<128xi32, #tpu.memory_space<vmem>>) semaphore(%arg10 : memref<!tpu.dma_semaphore, #tpu.memory_space<semaphore_mem>>)
        %dma_wait3A_403 = arith.constant 1 : i32
        %dma_wait3A_404 = arith.constant 0 : i32
        %dma_wait3A_405 = arith.constant 1 : i32
        %dma_wait3A_406 = arith.constant 0 : i32
        %dma_wait3A_407 = arith.constant 0 : i32
        %dma_wait3A_408 = tpu.memref_slice %arg7[%dma_wait3A_405, %dma_wait3A_406, %dma_wait3A_407] : memref<2x512x64xf32, #tpu.memory_space<vmem>> -> memref<1x128x64xf32, #tpu.memory_space<vmem>>
        %dma_wait3A_409 = tpu.memref_squeeze %dma_wait3A_408 : memref<1x128x64xf32, #tpu.memory_space<vmem>> -> memref<128x64xf32, #tpu.memory_space<vmem>>
        %dma_wait3A_410 = arith.constant 0 : i32
        %dma_wait3A_411 = tpu.memref_slice %arg6[%dma_wait3A_403, %dma_wait3A_404, %dma_wait3A_410] : memref<2x4x128xi32, #tpu.memory_space<vmem>> -> memref<1x1x128xi32, #tpu.memory_space<vmem>>
        %dma_wait3A_412 = tpu.memref_squeeze %dma_wait3A_411 : memref<1x1x128xi32, #tpu.memory_space<vmem>> -> memref<128xi32, #tpu.memory_space<vmem>>
        %dma_wait3A_413 = arith.constant 0 : i32
        %dma_wait3A_414 = arith.constant 0 : i32
        %dma_wait3A_415 = tpu.memref_slice %arg4[%dma_wait3A_413, %dma_wait3A_414] : memref<1000000x64xf32, #tpu.memory_space<hbm>> -> memref<1000000x64xf32, #tpu.memory_space<hbm>>
        tpu.wait_indirect_dma semaphore(%arg11 : memref<!tpu.dma_semaphore, #tpu.memory_space<semaphore_mem>>) src(%dma_wait3A_415 : memref<1000000x64xf32, #tpu.memory_space<hbm>>) dst(%dma_wait3A_409 : memref<128x64xf32, #tpu.memory_space<vmem>>)
        %dma_wait3A_416 = arith.constant 1 : i32
        %dma_wait3A_417 = arith.constant 1 : i32
        %dma_wait3A_418 = arith.constant 1 : i32
        %dma_wait3A_419 = arith.constant 128 : i32
        %dma_wait3A_420 = arith.constant 0 : i32
        %dma_wait3A_421 = tpu.memref_slice %arg7[%dma_wait3A_418, %dma_wait3A_419, %dma_wait3A_420] : memref<2x512x64xf32, #tpu.memory_space<vmem>> -> memref<1x128x64xf32, #tpu.memory_space<vmem>>
        %dma_wait3A_422 = tpu.memref_squeeze %dma_wait3A_421 : memref<1x128x64xf32, #tpu.memory_space<vmem>> -> memref<128x64xf32, #tpu.memory_space<vmem>>
        %dma_wait3A_423 = arith.constant 0 : i32
        %dma_wait3A_424 = tpu.memref_slice %arg6[%dma_wait3A_416, %dma_wait3A_417, %dma_wait3A_423] : memref<2x4x128xi32, #tpu.memory_space<vmem>> -> memref<1x1x128xi32, #tpu.memory_space<vmem>>
        %dma_wait3A_425 = tpu.memref_squeeze %dma_wait3A_424 : memref<1x1x128xi32, #tpu.memory_space<vmem>> -> memref<128xi32, #tpu.memory_space<vmem>>
        %dma_wait3A_426 = arith.constant 0 : i32
        %dma_wait3A_427 = arith.constant 0 : i32
        %dma_wait3A_428 = tpu.memref_slice %arg4[%dma_wait3A_426, %dma_wait3A_427] : memref<1000000x64xf32, #tpu.memory_space<hbm>> -> memref<1000000x64xf32, #tpu.memory_space<hbm>>
        tpu.wait_indirect_dma semaphore(%arg11 : memref<!tpu.dma_semaphore, #tpu.memory_space<semaphore_mem>>) src(%dma_wait3A_428 : memref<1000000x64xf32, #tpu.memory_space<hbm>>) dst(%dma_wait3A_422 : memref<128x64xf32, #tpu.memory_space<vmem>>)
        %dma_wait3A_429 = arith.constant 1 : i32
        %dma_wait3A_430 = arith.constant 2 : i32
        %dma_wait3A_431 = arith.constant 1 : i32
        %dma_wait3A_432 = arith.constant 256 : i32
        %dma_wait3A_433 = arith.constant 0 : i32
        %dma_wait3A_434 = tpu.memref_slice %arg7[%dma_wait3A_431, %dma_wait3A_432, %dma_wait3A_433] : memref<2x512x64xf32, #tpu.memory_space<vmem>> -> memref<1x128x64xf32, #tpu.memory_space<vmem>>
        %dma_wait3A_435 = tpu.memref_squeeze %dma_wait3A_434 : memref<1x128x64xf32, #tpu.memory_space<vmem>> -> memref<128x64xf32, #tpu.memory_space<vmem>>
        %dma_wait3A_436 = arith.constant 0 : i32
        %dma_wait3A_437 = tpu.memref_slice %arg6[%dma_wait3A_429, %dma_wait3A_430, %dma_wait3A_436] : memref<2x4x128xi32, #tpu.memory_space<vmem>> -> memref<1x1x128xi32, #tpu.memory_space<vmem>>
        %dma_wait3A_438 = tpu.memref_squeeze %dma_wait3A_437 : memref<1x1x128xi32, #tpu.memory_space<vmem>> -> memref<128xi32, #tpu.memory_space<vmem>>
        %dma_wait3A_439 = arith.constant 0 : i32
        %dma_wait3A_440 = arith.constant 0 : i32
        %dma_wait3A_441 = tpu.memref_slice %arg4[%dma_wait3A_439, %dma_wait3A_440] : memref<1000000x64xf32, #tpu.memory_space<hbm>> -> memref<1000000x64xf32, #tpu.memory_space<hbm>>
        tpu.wait_indirect_dma semaphore(%arg11 : memref<!tpu.dma_semaphore, #tpu.memory_space<semaphore_mem>>) src(%dma_wait3A_441 : memref<1000000x64xf32, #tpu.memory_space<hbm>>) dst(%dma_wait3A_435 : memref<128x64xf32, #tpu.memory_space<vmem>>)
        %dma_wait3A_442 = arith.constant 1 : i32
        %dma_wait3A_443 = arith.constant 3 : i32
        %dma_wait3A_444 = arith.constant 1 : i32
        %dma_wait3A_445 = arith.constant 384 : i32
        %dma_wait3A_446 = arith.constant 0 : i32
        %dma_wait3A_447 = tpu.memref_slice %arg7[%dma_wait3A_444, %dma_wait3A_445, %dma_wait3A_446] : memref<2x512x64xf32, #tpu.memory_space<vmem>> -> memref<1x128x64xf32, #tpu.memory_space<vmem>>
        %dma_wait3A_448 = tpu.memref_squeeze %dma_wait3A_447 : memref<1x128x64xf32, #tpu.memory_space<vmem>> -> memref<128x64xf32, #tpu.memory_space<vmem>>
        %dma_wait3A_449 = arith.constant 0 : i32
        %dma_wait3A_450 = tpu.memref_slice %arg6[%dma_wait3A_442, %dma_wait3A_443, %dma_wait3A_449] : memref<2x4x128xi32, #tpu.memory_space<vmem>> -> memref<1x1x128xi32, #tpu.memory_space<vmem>>
        %dma_wait3A_451 = tpu.memref_squeeze %dma_wait3A_450 : memref<1x1x128xi32, #tpu.memory_space<vmem>> -> memref<128xi32, #tpu.memory_space<vmem>>
        %dma_wait3A_452 = arith.constant 0 : i32
        %dma_wait3A_453 = arith.constant 0 : i32
        %dma_wait3A_454 = tpu.memref_slice %arg4[%dma_wait3A_452, %dma_wait3A_453] : memref<1000000x64xf32, #tpu.memory_space<hbm>> -> memref<1000000x64xf32, #tpu.memory_space<hbm>>
        tpu.wait_indirect_dma semaphore(%arg11 : memref<!tpu.dma_semaphore, #tpu.memory_space<semaphore_mem>>) src(%dma_wait3A_454 : memref<1000000x64xf32, #tpu.memory_space<hbm>>) dst(%dma_wait3A_448 : memref<128x64xf32, #tpu.memory_space<vmem>>)
      } else {
      }
      %eq3A_333 = arith.constant 1 : i32
      %eq3A_334 = arith.cmpi eq, %and3A_279, %eq3A_333 : i32
      %and3A_335 = arith.andi %and3A_326, %eq3A_334 : i1
      %convert_element_type3A_336 = arith.extui %and3A_335 : i1 to i32
      %cond3A_337 = arith.constant 0 : i32
      %cond3A_338 = arith.cmpi ne, %convert_element_type3A_336, %cond3A_337 : i32
      scf.if %cond3A_338 {
        %add3A_345 = arith.constant 2 : i32
        %add3A_346 = arith.addi %while3A_276, %add3A_345 : i32
        %mul3A_347 = arith.constant 4 : i32
        %mul3A_348 = arith.muli %add3A_346, %mul3A_347 : i32
        %add3A_349 = arith.addi %select_n3A, %mul3A_348 : i32
        %run_scoped3A_350 = arith.constant 1 : i32
        "tpu.region"() ({
          %run_scoped3A_455 = tpu.sem_alloc : memref<!tpu.dma_semaphore, #tpu.memory_space<semaphore_mem>>
          %dma_start3A_456 = arith.constant 0 : i32
          %dma_start3A_457 = arith.constant 0 : i32
          %dma_start3A_458 = tpu.memref_slice %arg6[%run_scoped3A_350, %dma_start3A_456, %dma_start3A_457] : memref<2x4x128xi32, #tpu.memory_space<vmem>> -> memref<1x4x128xi32, #tpu.memory_space<vmem>>
          %dma_start3A_459 = tpu.memref_squeeze %dma_start3A_458 : memref<1x4x128xi32, #tpu.memory_space<vmem>> -> memref<4x128xi32, #tpu.memory_space<vmem>>
          %dma_start3A_460 = arith.constant 0 : i32
          %dma_start3A_461 = tpu.memref_slice %arg2[%add3A_349, %dma_start3A_460] : memref<6408x128xi32, #tpu.memory_space<hbm>> -> memref<4x128xi32, #tpu.memory_space<hbm>>
          %dma_start3A_462 = arith.constant 0 : i32
          %dma_start3A_463 = arith.constant 0 : i32
          %dma_start3A_464 = tpu.memref_slice %arg6[%run_scoped3A_350, %dma_start3A_462, %dma_start3A_463] : memref<2x4x128xi32, #tpu.memory_space<vmem>> -> memref<1x4x128xi32, #tpu.memory_space<vmem>>
          %dma_start3A_465 = tpu.memref_squeeze %dma_start3A_464 : memref<1x4x128xi32, #tpu.memory_space<vmem>> -> memref<4x128xi32, #tpu.memory_space<vmem>>
          %dma_start3A_466 = arith.constant 0 : i32
          %dma_start3A_467 = tpu.memref_slice %arg2[%add3A_349, %dma_start3A_466] : memref<6408x128xi32, #tpu.memory_space<hbm>> -> memref<4x128xi32, #tpu.memory_space<hbm>>
          tpu.enqueue_dma source(%dma_start3A_467 : memref<4x128xi32, #tpu.memory_space<hbm>>) target(%dma_start3A_465 : memref<4x128xi32, #tpu.memory_space<vmem>>) target_semaphore(%run_scoped3A_455 : memref<!tpu.dma_semaphore, #tpu.memory_space<semaphore_mem>>)
          %dma_wait3A_468 = arith.constant 0 : i32
          %dma_wait3A_469 = arith.constant 0 : i32
          %dma_wait3A_470 = tpu.memref_slice %arg6[%run_scoped3A_350, %dma_wait3A_468, %dma_wait3A_469] : memref<2x4x128xi32, #tpu.memory_space<vmem>> -> memref<1x4x128xi32, #tpu.memory_space<vmem>>
          %dma_wait3A_471 = tpu.memref_squeeze %dma_wait3A_470 : memref<1x4x128xi32, #tpu.memory_space<vmem>> -> memref<4x128xi32, #tpu.memory_space<vmem>>
          %dma_wait3A_472 = arith.constant 0 : i32
          %dma_wait3A_473 = tpu.memref_slice %arg2[%add3A_349, %dma_wait3A_472] : memref<6408x128xi32, #tpu.memory_space<hbm>> -> memref<4x128xi32, #tpu.memory_space<hbm>>
          %dma_wait3A_474 = arith.constant 0 : i32
          %dma_wait3A_475 = arith.constant 0 : i32
          %dma_wait3A_476 = tpu.memref_slice %arg6[%run_scoped3A_350, %dma_wait3A_474, %dma_wait3A_475] : memref<2x4x128xi32, #tpu.memory_space<vmem>> -> memref<1x4x128xi32, #tpu.memory_space<vmem>>
          %dma_wait3A_477 = tpu.memref_squeeze %dma_wait3A_476 : memref<1x4x128xi32, #tpu.memory_space<vmem>> -> memref<4x128xi32, #tpu.memory_space<vmem>>
          %dma_wait3A_478 = arith.constant 0 : i32
          %dma_wait3A_479 = tpu.memref_slice %arg2[%add3A_349, %dma_wait3A_478] : memref<6408x128xi32, #tpu.memory_space<hbm>> -> memref<4x128xi32, #tpu.memory_space<hbm>>
          tpu.wait_dma2 semaphore(%run_scoped3A_455 : memref<!tpu.dma_semaphore, #tpu.memory_space<semaphore_mem>>) src(%dma_wait3A_479 : memref<4x128xi32, #tpu.memory_space<hbm>>) dst(%dma_wait3A_477 : memref<4x128xi32, #tpu.memory_space<vmem>>)
          tpu.yield
        }) : () -> ()
        %dma_start3A_351 = arith.constant 1 : i32
        %dma_start3A_352 = arith.constant 0 : i32
        %dma_start3A_353 = arith.constant 1 : i32
        %dma_start3A_354 = arith.constant 0 : i32
        %dma_start3A_355 = arith.constant 0 : i32
        %dma_start3A_356 = tpu.memref_slice %arg7[%dma_start3A_353, %dma_start3A_354, %dma_start3A_355] : memref<2x512x64xf32, #tpu.memory_space<vmem>> -> memref<1x128x64xf32, #tpu.memory_space<vmem>>
        %dma_start3A_357 = tpu.memref_squeeze %dma_start3A_356 : memref<1x128x64xf32, #tpu.memory_space<vmem>> -> memref<128x64xf32, #tpu.memory_space<vmem>>
        %dma_start3A_358 = arith.constant 0 : i32
        %dma_start3A_359 = tpu.memref_slice %arg6[%dma_start3A_351, %dma_start3A_352, %dma_start3A_358] : memref<2x4x128xi32, #tpu.memory_space<vmem>> -> memref<1x1x128xi32, #tpu.memory_space<vmem>>
        %dma_start3A_360 = tpu.memref_squeeze %dma_start3A_359 : memref<1x1x128xi32, #tpu.memory_space<vmem>> -> memref<128xi32, #tpu.memory_space<vmem>>
        %dma_start3A_361 = arith.constant 0 : i32
        %dma_start3A_362 = arith.constant 0 : i32
        %dma_start3A_363 = tpu.memref_slice %arg4[%dma_start3A_361, %dma_start3A_362] : memref<1000000x64xf32, #tpu.memory_space<hbm>> -> memref<1000000x64xf32, #tpu.memory_space<hbm>>
        tpu.enqueue_indirect_dma source(%dma_start3A_363 : memref<1000000x64xf32, #tpu.memory_space<hbm>>) target(%dma_start3A_357 : memref<128x64xf32, #tpu.memory_space<vmem>>) offsets(%dma_start3A_360 : memref<128xi32, #tpu.memory_space<vmem>>) semaphore(%arg11 : memref<!tpu.dma_semaphore, #tpu.memory_space<semaphore_mem>>)
        %dma_start3A_364 = arith.constant 1 : i32
        %dma_start3A_365 = arith.constant 1 : i32
        %dma_start3A_366 = arith.constant 1 : i32
        %dma_start3A_367 = arith.constant 128 : i32
        %dma_start3A_368 = arith.constant 0 : i32
        %dma_start3A_369 = tpu.memref_slice %arg7[%dma_start3A_366, %dma_start3A_367, %dma_start3A_368] : memref<2x512x64xf32, #tpu.memory_space<vmem>> -> memref<1x128x64xf32, #tpu.memory_space<vmem>>
        %dma_start3A_370 = tpu.memref_squeeze %dma_start3A_369 : memref<1x128x64xf32, #tpu.memory_space<vmem>> -> memref<128x64xf32, #tpu.memory_space<vmem>>
        %dma_start3A_371 = arith.constant 0 : i32
        %dma_start3A_372 = tpu.memref_slice %arg6[%dma_start3A_364, %dma_start3A_365, %dma_start3A_371] : memref<2x4x128xi32, #tpu.memory_space<vmem>> -> memref<1x1x128xi32, #tpu.memory_space<vmem>>
        %dma_start3A_373 = tpu.memref_squeeze %dma_start3A_372 : memref<1x1x128xi32, #tpu.memory_space<vmem>> -> memref<128xi32, #tpu.memory_space<vmem>>
        %dma_start3A_374 = arith.constant 0 : i32
        %dma_start3A_375 = arith.constant 0 : i32
        %dma_start3A_376 = tpu.memref_slice %arg4[%dma_start3A_374, %dma_start3A_375] : memref<1000000x64xf32, #tpu.memory_space<hbm>> -> memref<1000000x64xf32, #tpu.memory_space<hbm>>
        tpu.enqueue_indirect_dma source(%dma_start3A_376 : memref<1000000x64xf32, #tpu.memory_space<hbm>>) target(%dma_start3A_370 : memref<128x64xf32, #tpu.memory_space<vmem>>) offsets(%dma_start3A_373 : memref<128xi32, #tpu.memory_space<vmem>>) semaphore(%arg11 : memref<!tpu.dma_semaphore, #tpu.memory_space<semaphore_mem>>)
        %dma_start3A_377 = arith.constant 1 : i32
        %dma_start3A_378 = arith.constant 2 : i32
        %dma_start3A_379 = arith.constant 1 : i32
        %dma_start3A_380 = arith.constant 256 : i32
        %dma_start3A_381 = arith.constant 0 : i32
        %dma_start3A_382 = tpu.memref_slice %arg7[%dma_start3A_379, %dma_start3A_380, %dma_start3A_381] : memref<2x512x64xf32, #tpu.memory_space<vmem>> -> memref<1x128x64xf32, #tpu.memory_space<vmem>>
        %dma_start3A_383 = tpu.memref_squeeze %dma_start3A_382 : memref<1x128x64xf32, #tpu.memory_space<vmem>> -> memref<128x64xf32, #tpu.memory_space<vmem>>
        %dma_start3A_384 = arith.constant 0 : i32
        %dma_start3A_385 = tpu.memref_slice %arg6[%dma_start3A_377, %dma_start3A_378, %dma_start3A_384] : memref<2x4x128xi32, #tpu.memory_space<vmem>> -> memref<1x1x128xi32, #tpu.memory_space<vmem>>
        %dma_start3A_386 = tpu.memref_squeeze %dma_start3A_385 : memref<1x1x128xi32, #tpu.memory_space<vmem>> -> memref<128xi32, #tpu.memory_space<vmem>>
        %dma_start3A_387 = arith.constant 0 : i32
        %dma_start3A_388 = arith.constant 0 : i32
        %dma_start3A_389 = tpu.memref_slice %arg4[%dma_start3A_387, %dma_start3A_388] : memref<1000000x64xf32, #tpu.memory_space<hbm>> -> memref<1000000x64xf32, #tpu.memory_space<hbm>>
        tpu.enqueue_indirect_dma source(%dma_start3A_389 : memref<1000000x64xf32, #tpu.memory_space<hbm>>) target(%dma_start3A_383 : memref<128x64xf32, #tpu.memory_space<vmem>>) offsets(%dma_start3A_386 : memref<128xi32, #tpu.memory_space<vmem>>) semaphore(%arg11 : memref<!tpu.dma_semaphore, #tpu.memory_space<semaphore_mem>>)
        %dma_start3A_390 = arith.constant 1 : i32
        %dma_start3A_391 = arith.constant 3 : i32
        %dma_start3A_392 = arith.constant 1 : i32
        %dma_start3A_393 = arith.constant 384 : i32
        %dma_start3A_394 = arith.constant 0 : i32
        %dma_start3A_395 = tpu.memref_slice %arg7[%dma_start3A_392, %dma_start3A_393, %dma_start3A_394] : memref<2x512x64xf32, #tpu.memory_space<vmem>> -> memref<1x128x64xf32, #tpu.memory_space<vmem>>
        %dma_start3A_396 = tpu.memref_squeeze %dma_start3A_395 : memref<1x128x64xf32, #tpu.memory_space<vmem>> -> memref<128x64xf32, #tpu.memory_space<vmem>>
        %dma_start3A_397 = arith.constant 0 : i32
        %dma_start3A_398 = tpu.memref_slice %arg6[%dma_start3A_390, %dma_start3A_391, %dma_start3A_397] : memref<2x4x128xi32, #tpu.memory_space<vmem>> -> memref<1x1x128xi32, #tpu.memory_space<vmem>>
        %dma_start3A_399 = tpu.memref_squeeze %dma_start3A_398 : memref<1x1x128xi32, #tpu.memory_space<vmem>> -> memref<128xi32, #tpu.memory_space<vmem>>
        %dma_start3A_400 = arith.constant 0 : i32
        %dma_start3A_401 = arith.constant 0 : i32
        %dma_start3A_402 = tpu.memref_slice %arg4[%dma_start3A_400, %dma_start3A_401] : memref<1000000x64xf32, #tpu.memory_space<hbm>> -> memref<1000000x64xf32, #tpu.memory_space<hbm>>
        tpu.enqueue_indirect_dma source(%dma_start3A_402 : memref<1000000x64xf32, #tpu.memory_space<hbm>>) target(%dma_start3A_396 : memref<128x64xf32, #tpu.memory_space<vmem>>) offsets(%dma_start3A_399 : memref<128xi32, #tpu.memory_space<vmem>>) semaphore(%arg11 : memref<!tpu.dma_semaphore, #tpu.memory_space<semaphore_mem>>)
        %dma_wait3A_403 = arith.constant 0 : i32
        %dma_wait3A_404 = arith.constant 0 : i32
        %dma_wait3A_405 = arith.constant 0 : i32
        %dma_wait3A_406 = arith.constant 0 : i32
        %dma_wait3A_407 = arith.constant 0 : i32
        %dma_wait3A_408 = tpu.memref_slice %arg7[%dma_wait3A_405, %dma_wait3A_406, %dma_wait3A_407] : memref<2x512x64xf32, #tpu.memory_space<vmem>> -> memref<1x128x64xf32, #tpu.memory_space<vmem>>
        %dma_wait3A_409 = tpu.memref_squeeze %dma_wait3A_408 : memref<1x128x64xf32, #tpu.memory_space<vmem>> -> memref<128x64xf32, #tpu.memory_space<vmem>>
        %dma_wait3A_410 = arith.constant 0 : i32
        %dma_wait3A_411 = tpu.memref_slice %arg6[%dma_wait3A_403, %dma_wait3A_404, %dma_wait3A_410] : memref<2x4x128xi32, #tpu.memory_space<vmem>> -> memref<1x1x128xi32, #tpu.memory_space<vmem>>
        %dma_wait3A_412 = tpu.memref_squeeze %dma_wait3A_411 : memref<1x1x128xi32, #tpu.memory_space<vmem>> -> memref<128xi32, #tpu.memory_space<vmem>>
        %dma_wait3A_413 = arith.constant 0 : i32
        %dma_wait3A_414 = arith.constant 0 : i32
        %dma_wait3A_415 = tpu.memref_slice %arg4[%dma_wait3A_413, %dma_wait3A_414] : memref<1000000x64xf32, #tpu.memory_space<hbm>> -> memref<1000000x64xf32, #tpu.memory_space<hbm>>
        tpu.wait_indirect_dma semaphore(%arg10 : memref<!tpu.dma_semaphore, #tpu.memory_space<semaphore_mem>>) src(%dma_wait3A_415 : memref<1000000x64xf32, #tpu.memory_space<hbm>>) dst(%dma_wait3A_409 : memref<128x64xf32, #tpu.memory_space<vmem>>)
        %dma_wait3A_416 = arith.constant 0 : i32
        %dma_wait3A_417 = arith.constant 1 : i32
        %dma_wait3A_418 = arith.constant 0 : i32
        %dma_wait3A_419 = arith.constant 128 : i32
        %dma_wait3A_420 = arith.constant 0 : i32
        %dma_wait3A_421 = tpu.memref_slice %arg7[%dma_wait3A_418, %dma_wait3A_419, %dma_wait3A_420] : memref<2x512x64xf32, #tpu.memory_space<vmem>> -> memref<1x128x64xf32, #tpu.memory_space<vmem>>
        %dma_wait3A_422 = tpu.memref_squeeze %dma_wait3A_421 : memref<1x128x64xf32, #tpu.memory_space<vmem>> -> memref<128x64xf32, #tpu.memory_space<vmem>>
        %dma_wait3A_423 = arith.constant 0 : i32
        %dma_wait3A_424 = tpu.memref_slice %arg6[%dma_wait3A_416, %dma_wait3A_417, %dma_wait3A_423] : memref<2x4x128xi32, #tpu.memory_space<vmem>> -> memref<1x1x128xi32, #tpu.memory_space<vmem>>
        %dma_wait3A_425 = tpu.memref_squeeze %dma_wait3A_424 : memref<1x1x128xi32, #tpu.memory_space<vmem>> -> memref<128xi32, #tpu.memory_space<vmem>>
        %dma_wait3A_426 = arith.constant 0 : i32
        %dma_wait3A_427 = arith.constant 0 : i32
        %dma_wait3A_428 = tpu.memref_slice %arg4[%dma_wait3A_426, %dma_wait3A_427] : memref<1000000x64xf32, #tpu.memory_space<hbm>> -> memref<1000000x64xf32, #tpu.memory_space<hbm>>
        tpu.wait_indirect_dma semaphore(%arg10 : memref<!tpu.dma_semaphore, #tpu.memory_space<semaphore_mem>>) src(%dma_wait3A_428 : memref<1000000x64xf32, #tpu.memory_space<hbm>>) dst(%dma_wait3A_422 : memref<128x64xf32, #tpu.memory_space<vmem>>)
        %dma_wait3A_429 = arith.constant 0 : i32
        %dma_wait3A_430 = arith.constant 2 : i32
        %dma_wait3A_431 = arith.constant 0 : i32
        %dma_wait3A_432 = arith.constant 256 : i32
        %dma_wait3A_433 = arith.constant 0 : i32
        %dma_wait3A_434 = tpu.memref_slice %arg7[%dma_wait3A_431, %dma_wait3A_432, %dma_wait3A_433] : memref<2x512x64xf32, #tpu.memory_space<vmem>> -> memref<1x128x64xf32, #tpu.memory_space<vmem>>
        %dma_wait3A_435 = tpu.memref_squeeze %dma_wait3A_434 : memref<1x128x64xf32, #tpu.memory_space<vmem>> -> memref<128x64xf32, #tpu.memory_space<vmem>>
        %dma_wait3A_436 = arith.constant 0 : i32
        %dma_wait3A_437 = tpu.memref_slice %arg6[%dma_wait3A_429, %dma_wait3A_430, %dma_wait3A_436] : memref<2x4x128xi32, #tpu.memory_space<vmem>> -> memref<1x1x128xi32, #tpu.memory_space<vmem>>
        %dma_wait3A_438 = tpu.memref_squeeze %dma_wait3A_437 : memref<1x1x128xi32, #tpu.memory_space<vmem>> -> memref<128xi32, #tpu.memory_space<vmem>>
        %dma_wait3A_439 = arith.constant 0 : i32
        %dma_wait3A_440 = arith.constant 0 : i32
        %dma_wait3A_441 = tpu.memref_slice %arg4[%dma_wait3A_439, %dma_wait3A_440] : memref<1000000x64xf32, #tpu.memory_space<hbm>> -> memref<1000000x64xf32, #tpu.memory_space<hbm>>
        tpu.wait_indirect_dma semaphore(%arg10 : memref<!tpu.dma_semaphore, #tpu.memory_space<semaphore_mem>>) src(%dma_wait3A_441 : memref<1000000x64xf32, #tpu.memory_space<hbm>>) dst(%dma_wait3A_435 : memref<128x64xf32, #tpu.memory_space<vmem>>)
        %dma_wait3A_442 = arith.constant 0 : i32
        %dma_wait3A_443 = arith.constant 3 : i32
        %dma_wait3A_444 = arith.constant 0 : i32
        %dma_wait3A_445 = arith.constant 384 : i32
        %dma_wait3A_446 = arith.constant 0 : i32
        %dma_wait3A_447 = tpu.memref_slice %arg7[%dma_wait3A_444, %dma_wait3A_445, %dma_wait3A_446] : memref<2x512x64xf32, #tpu.memory_space<vmem>> -> memref<1x128x64xf32, #tpu.memory_space<vmem>>
        %dma_wait3A_448 = tpu.memref_squeeze %dma_wait3A_447 : memref<1x128x64xf32, #tpu.memory_space<vmem>> -> memref<128x64xf32, #tpu.memory_space<vmem>>
        %dma_wait3A_449 = arith.constant 0 : i32
        %dma_wait3A_450 = tpu.memref_slice %arg6[%dma_wait3A_442, %dma_wait3A_443, %dma_wait3A_449] : memref<2x4x128xi32, #tpu.memory_space<vmem>> -> memref<1x1x128xi32, #tpu.memory_space<vmem>>
        %dma_wait3A_451 = tpu.memref_squeeze %dma_wait3A_450 : memref<1x1x128xi32, #tpu.memory_space<vmem>> -> memref<128xi32, #tpu.memory_space<vmem>>
        %dma_wait3A_452 = arith.constant 0 : i32
        %dma_wait3A_453 = arith.constant 0 : i32
        %dma_wait3A_454 = tpu.memref_slice %arg4[%dma_wait3A_452, %dma_wait3A_453] : memref<1000000x64xf32, #tpu.memory_space<hbm>> -> memref<1000000x64xf32, #tpu.memory_space<hbm>>
        tpu.wait_indirect_dma semaphore(%arg10 : memref<!tpu.dma_semaphore, #tpu.memory_space<semaphore_mem>>) src(%dma_wait3A_454 : memref<1000000x64xf32, #tpu.memory_space<hbm>>) dst(%dma_wait3A_448 : memref<128x64xf32, #tpu.memory_space<vmem>>)
      } else {
      }
      %add3A_339 = arith.constant 1 : i32
      %add3A_340 = arith.addi %while3A_276, %add3A_339 : i32
      %select_n3A_341 = arith.select %le3A, %while3A_276, %add3A_340 : i32
      %add3A_342 = arith.constant 1 : i32
      %add3A_343 = arith.addi %while3A_277, %add3A_342 : i32
      %select_n3A_344 = arith.select %le3A, %add3A_343, %while3A_277 : i32
      scf.yield %select_n3A_341, %select_n3A_344 : i32, i32
    }
    %max3A_244 = arith.constant 1 : i32
    %max3A_245 = arith.maxsi %max3A_62, %max3A_244 : i32
    %and3A_246 = arith.constant 1 : i32
    %and3A_247 = arith.andi %max3A_245, %and3A_246 : i32
    %eq3A = arith.constant 0 : i32
    %eq3A_248 = arith.cmpi eq, %and3A_247, %eq3A : i32
    %convert_element_type3A = arith.extui %eq3A_248 : i1 to i32
    %cond3A = arith.constant 0 : i32
    %cond3A_249 = arith.cmpi ne, %convert_element_type3A, %cond3A : i32
    scf.if %cond3A_249 {
      %dma_wait3A_275 = arith.constant 0 : i32
      %dma_wait3A_276 = arith.constant 0 : i32
      %dma_wait3A_277 = arith.constant 0 : i32
      %dma_wait3A_278 = arith.constant 0 : i32
      %dma_wait3A_279 = arith.constant 0 : i32
      %dma_wait3A_280 = tpu.memref_slice %arg7[%dma_wait3A_277, %dma_wait3A_278, %dma_wait3A_279] : memref<2x512x64xf32, #tpu.memory_space<vmem>> -> memref<1x128x64xf32, #tpu.memory_space<vmem>>
      %dma_wait3A_281 = tpu.memref_squeeze %dma_wait3A_280 : memref<1x128x64xf32, #tpu.memory_space<vmem>> -> memref<128x64xf32, #tpu.memory_space<vmem>>
      %dma_wait3A_282 = arith.constant 0 : i32
      %dma_wait3A_283 = tpu.memref_slice %arg6[%dma_wait3A_275, %dma_wait3A_276, %dma_wait3A_282] : memref<2x4x128xi32, #tpu.memory_space<vmem>> -> memref<1x1x128xi32, #tpu.memory_space<vmem>>
      %dma_wait3A_284 = tpu.memref_squeeze %dma_wait3A_283 : memref<1x1x128xi32, #tpu.memory_space<vmem>> -> memref<128xi32, #tpu.memory_space<vmem>>
      %dma_wait3A_285 = arith.constant 0 : i32
      %dma_wait3A_286 = arith.constant 0 : i32
      %dma_wait3A_287 = tpu.memref_slice %arg4[%dma_wait3A_285, %dma_wait3A_286] : memref<1000000x64xf32, #tpu.memory_space<hbm>> -> memref<1000000x64xf32, #tpu.memory_space<hbm>>
      tpu.wait_indirect_dma semaphore(%arg10 : memref<!tpu.dma_semaphore, #tpu.memory_space<semaphore_mem>>) src(%dma_wait3A_287 : memref<1000000x64xf32, #tpu.memory_space<hbm>>) dst(%dma_wait3A_281 : memref<128x64xf32, #tpu.memory_space<vmem>>)
      %dma_wait3A_288 = arith.constant 0 : i32
      %dma_wait3A_289 = arith.constant 1 : i32
      %dma_wait3A_290 = arith.constant 0 : i32
      %dma_wait3A_291 = arith.constant 128 : i32
      %dma_wait3A_292 = arith.constant 0 : i32
      %dma_wait3A_293 = tpu.memref_slice %arg7[%dma_wait3A_290, %dma_wait3A_291, %dma_wait3A_292] : memref<2x512x64xf32, #tpu.memory_space<vmem>> -> memref<1x128x64xf32, #tpu.memory_space<vmem>>
      %dma_wait3A_294 = tpu.memref_squeeze %dma_wait3A_293 : memref<1x128x64xf32, #tpu.memory_space<vmem>> -> memref<128x64xf32, #tpu.memory_space<vmem>>
      %dma_wait3A_295 = arith.constant 0 : i32
      %dma_wait3A_296 = tpu.memref_slice %arg6[%dma_wait3A_288, %dma_wait3A_289, %dma_wait3A_295] : memref<2x4x128xi32, #tpu.memory_space<vmem>> -> memref<1x1x128xi32, #tpu.memory_space<vmem>>
      %dma_wait3A_297 = tpu.memref_squeeze %dma_wait3A_296 : memref<1x1x128xi32, #tpu.memory_space<vmem>> -> memref<128xi32, #tpu.memory_space<vmem>>
      %dma_wait3A_298 = arith.constant 0 : i32
      %dma_wait3A_299 = arith.constant 0 : i32
      %dma_wait3A_300 = tpu.memref_slice %arg4[%dma_wait3A_298, %dma_wait3A_299] : memref<1000000x64xf32, #tpu.memory_space<hbm>> -> memref<1000000x64xf32, #tpu.memory_space<hbm>>
      tpu.wait_indirect_dma semaphore(%arg10 : memref<!tpu.dma_semaphore, #tpu.memory_space<semaphore_mem>>) src(%dma_wait3A_300 : memref<1000000x64xf32, #tpu.memory_space<hbm>>) dst(%dma_wait3A_294 : memref<128x64xf32, #tpu.memory_space<vmem>>)
      %dma_wait3A_301 = arith.constant 0 : i32
      %dma_wait3A_302 = arith.constant 2 : i32
      %dma_wait3A_303 = arith.constant 0 : i32
      %dma_wait3A_304 = arith.constant 256 : i32
      %dma_wait3A_305 = arith.constant 0 : i32
      %dma_wait3A_306 = tpu.memref_slice %arg7[%dma_wait3A_303, %dma_wait3A_304, %dma_wait3A_305] : memref<2x512x64xf32, #tpu.memory_space<vmem>> -> memref<1x128x64xf32, #tpu.memory_space<vmem>>
      %dma_wait3A_307 = tpu.memref_squeeze %dma_wait3A_306 : memref<1x128x64xf32, #tpu.memory_space<vmem>> -> memref<128x64xf32, #tpu.memory_space<vmem>>
      %dma_wait3A_308 = arith.constant 0 : i32
      %dma_wait3A_309 = tpu.memref_slice %arg6[%dma_wait3A_301, %dma_wait3A_302, %dma_wait3A_308] : memref<2x4x128xi32, #tpu.memory_space<vmem>> -> memref<1x1x128xi32, #tpu.memory_space<vmem>>
      %dma_wait3A_310 = tpu.memref_squeeze %dma_wait3A_309 : memref<1x1x128xi32, #tpu.memory_space<vmem>> -> memref<128xi32, #tpu.memory_space<vmem>>
      %dma_wait3A_311 = arith.constant 0 : i32
      %dma_wait3A_312 = arith.constant 0 : i32
      %dma_wait3A_313 = tpu.memref_slice %arg4[%dma_wait3A_311, %dma_wait3A_312] : memref<1000000x64xf32, #tpu.memory_space<hbm>> -> memref<1000000x64xf32, #tpu.memory_space<hbm>>
      tpu.wait_indirect_dma semaphore(%arg10 : memref<!tpu.dma_semaphore, #tpu.memory_space<semaphore_mem>>) src(%dma_wait3A_313 : memref<1000000x64xf32, #tpu.memory_space<hbm>>) dst(%dma_wait3A_307 : memref<128x64xf32, #tpu.memory_space<vmem>>)
      %dma_wait3A_314 = arith.constant 0 : i32
      %dma_wait3A_315 = arith.constant 3 : i32
      %dma_wait3A_316 = arith.constant 0 : i32
      %dma_wait3A_317 = arith.constant 384 : i32
      %dma_wait3A_318 = arith.constant 0 : i32
      %dma_wait3A_319 = tpu.memref_slice %arg7[%dma_wait3A_316, %dma_wait3A_317, %dma_wait3A_318] : memref<2x512x64xf32, #tpu.memory_space<vmem>> -> memref<1x128x64xf32, #tpu.memory_space<vmem>>
      %dma_wait3A_320 = tpu.memref_squeeze %dma_wait3A_319 : memref<1x128x64xf32, #tpu.memory_space<vmem>> -> memref<128x64xf32, #tpu.memory_space<vmem>>
      %dma_wait3A_321 = arith.constant 0 : i32
      %dma_wait3A_322 = tpu.memref_slice %arg6[%dma_wait3A_314, %dma_wait3A_315, %dma_wait3A_321] : memref<2x4x128xi32, #tpu.memory_space<vmem>> -> memref<1x1x128xi32, #tpu.memory_space<vmem>>
      %dma_wait3A_323 = tpu.memref_squeeze %dma_wait3A_322 : memref<1x1x128xi32, #tpu.memory_space<vmem>> -> memref<128xi32, #tpu.memory_space<vmem>>
      %dma_wait3A_324 = arith.constant 0 : i32
      %dma_wait3A_325 = arith.constant 0 : i32
      %dma_wait3A_326 = tpu.memref_slice %arg4[%dma_wait3A_324, %dma_wait3A_325] : memref<1000000x64xf32, #tpu.memory_space<hbm>> -> memref<1000000x64xf32, #tpu.memory_space<hbm>>
      tpu.wait_indirect_dma semaphore(%arg10 : memref<!tpu.dma_semaphore, #tpu.memory_space<semaphore_mem>>) src(%dma_wait3A_326 : memref<1000000x64xf32, #tpu.memory_space<hbm>>) dst(%dma_wait3A_320 : memref<128x64xf32, #tpu.memory_space<vmem>>)
    } else {
    }
    %eq3A_250 = arith.constant 1 : i32
    %eq3A_251 = arith.cmpi eq, %and3A_247, %eq3A_250 : i32
    %convert_element_type3A_252 = arith.extui %eq3A_251 : i1 to i32
    %cond3A_253 = arith.constant 0 : i32
    %cond3A_254 = arith.cmpi ne, %convert_element_type3A_252, %cond3A_253 : i32
    scf.if %cond3A_254 {
      %dma_wait3A_275 = arith.constant 1 : i32
      %dma_wait3A_276 = arith.constant 0 : i32
      %dma_wait3A_277 = arith.constant 1 : i32
      %dma_wait3A_278 = arith.constant 0 : i32
      %dma_wait3A_279 = arith.constant 0 : i32
      %dma_wait3A_280 = tpu.memref_slice %arg7[%dma_wait3A_277, %dma_wait3A_278, %dma_wait3A_279] : memref<2x512x64xf32, #tpu.memory_space<vmem>> -> memref<1x128x64xf32, #tpu.memory_space<vmem>>
      %dma_wait3A_281 = tpu.memref_squeeze %dma_wait3A_280 : memref<1x128x64xf32, #tpu.memory_space<vmem>> -> memref<128x64xf32, #tpu.memory_space<vmem>>
      %dma_wait3A_282 = arith.constant 0 : i32
      %dma_wait3A_283 = tpu.memref_slice %arg6[%dma_wait3A_275, %dma_wait3A_276, %dma_wait3A_282] : memref<2x4x128xi32, #tpu.memory_space<vmem>> -> memref<1x1x128xi32, #tpu.memory_space<vmem>>
      %dma_wait3A_284 = tpu.memref_squeeze %dma_wait3A_283 : memref<1x1x128xi32, #tpu.memory_space<vmem>> -> memref<128xi32, #tpu.memory_space<vmem>>
      %dma_wait3A_285 = arith.constant 0 : i32
      %dma_wait3A_286 = arith.constant 0 : i32
      %dma_wait3A_287 = tpu.memref_slice %arg4[%dma_wait3A_285, %dma_wait3A_286] : memref<1000000x64xf32, #tpu.memory_space<hbm>> -> memref<1000000x64xf32, #tpu.memory_space<hbm>>
      tpu.wait_indirect_dma semaphore(%arg11 : memref<!tpu.dma_semaphore, #tpu.memory_space<semaphore_mem>>) src(%dma_wait3A_287 : memref<1000000x64xf32, #tpu.memory_space<hbm>>) dst(%dma_wait3A_281 : memref<128x64xf32, #tpu.memory_space<vmem>>)
      %dma_wait3A_288 = arith.constant 1 : i32
      %dma_wait3A_289 = arith.constant 1 : i32
      %dma_wait3A_290 = arith.constant 1 : i32
      %dma_wait3A_291 = arith.constant 128 : i32
      %dma_wait3A_292 = arith.constant 0 : i32
      %dma_wait3A_293 = tpu.memref_slice %arg7[%dma_wait3A_290, %dma_wait3A_291, %dma_wait3A_292] : memref<2x512x64xf32, #tpu.memory_space<vmem>> -> memref<1x128x64xf32, #tpu.memory_space<vmem>>
      %dma_wait3A_294 = tpu.memref_squeeze %dma_wait3A_293 : memref<1x128x64xf32, #tpu.memory_space<vmem>> -> memref<128x64xf32, #tpu.memory_space<vmem>>
      %dma_wait3A_295 = arith.constant 0 : i32
      %dma_wait3A_296 = tpu.memref_slice %arg6[%dma_wait3A_288, %dma_wait3A_289, %dma_wait3A_295] : memref<2x4x128xi32, #tpu.memory_space<vmem>> -> memref<1x1x128xi32, #tpu.memory_space<vmem>>
      %dma_wait3A_297 = tpu.memref_squeeze %dma_wait3A_296 : memref<1x1x128xi32, #tpu.memory_space<vmem>> -> memref<128xi32, #tpu.memory_space<vmem>>
      %dma_wait3A_298 = arith.constant 0 : i32
      %dma_wait3A_299 = arith.constant 0 : i32
      %dma_wait3A_300 = tpu.memref_slice %arg4[%dma_wait3A_298, %dma_wait3A_299] : memref<1000000x64xf32, #tpu.memory_space<hbm>> -> memref<1000000x64xf32, #tpu.memory_space<hbm>>
      tpu.wait_indirect_dma semaphore(%arg11 : memref<!tpu.dma_semaphore, #tpu.memory_space<semaphore_mem>>) src(%dma_wait3A_300 : memref<1000000x64xf32, #tpu.memory_space<hbm>>) dst(%dma_wait3A_294 : memref<128x64xf32, #tpu.memory_space<vmem>>)
      %dma_wait3A_301 = arith.constant 1 : i32
      %dma_wait3A_302 = arith.constant 2 : i32
      %dma_wait3A_303 = arith.constant 1 : i32
      %dma_wait3A_304 = arith.constant 256 : i32
      %dma_wait3A_305 = arith.constant 0 : i32
      %dma_wait3A_306 = tpu.memref_slice %arg7[%dma_wait3A_303, %dma_wait3A_304, %dma_wait3A_305] : memref<2x512x64xf32, #tpu.memory_space<vmem>> -> memref<1x128x64xf32, #tpu.memory_space<vmem>>
      %dma_wait3A_307 = tpu.memref_squeeze %dma_wait3A_306 : memref<1x128x64xf32, #tpu.memory_space<vmem>> -> memref<128x64xf32, #tpu.memory_space<vmem>>
      %dma_wait3A_308 = arith.constant 0 : i32
      %dma_wait3A_309 = tpu.memref_slice %arg6[%dma_wait3A_301, %dma_wait3A_302, %dma_wait3A_308] : memref<2x4x128xi32, #tpu.memory_space<vmem>> -> memref<1x1x128xi32, #tpu.memory_space<vmem>>
      %dma_wait3A_310 = tpu.memref_squeeze %dma_wait3A_309 : memref<1x1x128xi32, #tpu.memory_space<vmem>> -> memref<128xi32, #tpu.memory_space<vmem>>
      %dma_wait3A_311 = arith.constant 0 : i32
      %dma_wait3A_312 = arith.constant 0 : i32
      %dma_wait3A_313 = tpu.memref_slice %arg4[%dma_wait3A_311, %dma_wait3A_312] : memref<1000000x64xf32, #tpu.memory_space<hbm>> -> memref<1000000x64xf32, #tpu.memory_space<hbm>>
      tpu.wait_indirect_dma semaphore(%arg11 : memref<!tpu.dma_semaphore, #tpu.memory_space<semaphore_mem>>) src(%dma_wait3A_313 : memref<1000000x64xf32, #tpu.memory_space<hbm>>) dst(%dma_wait3A_307 : memref<128x64xf32, #tpu.memory_space<vmem>>)
      %dma_wait3A_314 = arith.constant 1 : i32
      %dma_wait3A_315 = arith.constant 3 : i32
      %dma_wait3A_316 = arith.constant 1 : i32
      %dma_wait3A_317 = arith.constant 384 : i32
      %dma_wait3A_318 = arith.constant 0 : i32
      %dma_wait3A_319 = tpu.memref_slice %arg7[%dma_wait3A_316, %dma_wait3A_317, %dma_wait3A_318] : memref<2x512x64xf32, #tpu.memory_space<vmem>> -> memref<1x128x64xf32, #tpu.memory_space<vmem>>
      %dma_wait3A_320 = tpu.memref_squeeze %dma_wait3A_319 : memref<1x128x64xf32, #tpu.memory_space<vmem>> -> memref<128x64xf32, #tpu.memory_space<vmem>>
      %dma_wait3A_321 = arith.constant 0 : i32
      %dma_wait3A_322 = tpu.memref_slice %arg6[%dma_wait3A_314, %dma_wait3A_315, %dma_wait3A_321] : memref<2x4x128xi32, #tpu.memory_space<vmem>> -> memref<1x1x128xi32, #tpu.memory_space<vmem>>
      %dma_wait3A_323 = tpu.memref_squeeze %dma_wait3A_322 : memref<1x1x128xi32, #tpu.memory_space<vmem>> -> memref<128xi32, #tpu.memory_space<vmem>>
      %dma_wait3A_324 = arith.constant 0 : i32
      %dma_wait3A_325 = arith.constant 0 : i32
      %dma_wait3A_326 = tpu.memref_slice %arg4[%dma_wait3A_324, %dma_wait3A_325] : memref<1000000x64xf32, #tpu.memory_space<hbm>> -> memref<1000000x64xf32, #tpu.memory_space<hbm>>
      tpu.wait_indirect_dma semaphore(%arg11 : memref<!tpu.dma_semaphore, #tpu.memory_space<semaphore_mem>>) src(%dma_wait3A_326 : memref<1000000x64xf32, #tpu.memory_space<hbm>>) dst(%dma_wait3A_320 : memref<128x64xf32, #tpu.memory_space<vmem>>)
    } else {
    }
    %iota3A = tpu.iota {dimensions = array<i32: 0>} : vector<16xi32>
    %xor3A = arith.constant 1 : i32
    %xor3A_255 = vector.broadcast %xor3A : i32 to vector<16xi32>
    %xor3A_256 = arith.xori %iota3A, %xor3A_255 : vector<16xi32>
    %xor3A_257 = arith.constant 2 : i32
    %xor3A_258 = vector.broadcast %xor3A_257 : i32 to vector<16xi32>
    %xor3A_259 = arith.xori %iota3A, %xor3A_258 : vector<16xi32>
    %xor3A_260 = arith.constant 4 : i32
    %xor3A_261 = vector.broadcast %xor3A_260 : i32 to vector<16xi32>
    %xor3A_262 = arith.xori %iota3A, %xor3A_261 : vector<16xi32>
    %xor3A_263 = arith.constant 8 : i32
    %xor3A_264 = vector.broadcast %xor3A_263 : i32 to vector<16xi32>
    %xor3A_265 = arith.xori %iota3A, %xor3A_264 : vector<16xi32>
    %scan3A_266 = arith.constant 0 : i32
    %scan3A_267 = arith.constant 0 : i32
    %scan3A_268 = arith.constant 128 : i32
    %scan3A_269 = arith.addi %scan3A_267, %scan3A_268 : i32
    %scan3A_270 = arith.constant 1 : i32
    %scan3A_271 = scf.for %scan3A_275 = %scan3A_267 to %scan3A_269 step %scan3A_270 iter_args(%scan3A_276 = %scan3A_266) -> (i32)  : i32 {
      %add3A_277 = arith.constant 1 : i32
      %add3A_278 = arith.addi %scan3A_275, %add3A_277 : i32
      %get3A_279 = arith.index_cast %add3A_278 : i32 to index
      %get3A_280 = tpu.vector_load %arg9[%get3A_279] {strides = array<i32>} : memref<152xi32, #tpu.memory_space<vmem>>, vector<16xi32>,
      %slice3A_281 = vector.extract_strided_slice %get3A_280 {offsets = [0], sizes = [1], strides = [1]} : vector<16xi32> to vector<1xi32>
      %squeeze3A_282 = vector.extract %slice3A_281[0] : i32 from vector<1xi32>
      %get3A_283 = arith.index_cast %scan3A_275 : i32 to index
      %get3A_284 = tpu.vector_load %arg9[%get3A_283] {strides = array<i32>} : memref<152xi32, #tpu.memory_space<vmem>>, vector<16xi32>,
      %slice3A_285 = vector.extract_strided_slice %get3A_284 {offsets = [0], sizes = [1], strides = [1]} : vector<16xi32> to vector<1xi32>
      %squeeze3A_286 = vector.extract %slice3A_285[0] : i32 from vector<1xi32>
      %sub3A_287 = arith.subi %squeeze3A_282, %squeeze3A_286 : i32
      %max3A_288 = arith.constant 1 : i32
      %max3A_289 = arith.maxsi %sub3A_287, %max3A_288 : i32
      %broadcast_in_dim3A_290 = arith.constant 1.000000e+00 : f32
      %broadcast_in_dim3A_291 = vector.broadcast %broadcast_in_dim3A_290 : f32 to vector<16xf32>
      %convert_element_type3A_292 = arith.sitofp %max3A_289 : i32 to f32
      %mul3A_293 = vector.broadcast %convert_element_type3A_292 : f32 to vector<16xf32>
      %mul3A_294 = arith.mulf %broadcast_in_dim3A_291, %mul3A_293 : vector<16xf32>
      %broadcast_in_dim3A_295 = arith.constant 1597463007 : i32
      %broadcast_in_dim3A_296 = vector.broadcast %broadcast_in_dim3A_295 : i32 to vector<16xi32>
      %bitcast_convert_type3A = tpu.bitcast %mul3A_294 : vector<16xf32> -> vector<16xi32>
      %shift_right_arithmetic3A = arith.constant 1 : i32
      %shift_right_arithmetic3A_297 = vector.broadcast %shift_right_arithmetic3A : i32 to vector<16xi32>
      %shift_right_arithmetic3A_298 = arith.shrsi %bitcast_convert_type3A, %shift_right_arithmetic3A_297 : vector<16xi32>
      %sub3A_299 = arith.subi %broadcast_in_dim3A_296, %shift_right_arithmetic3A_298 : vector<16xi32>
      %bitcast_convert_type3A_300 = tpu.bitcast %sub3A_299 : vector<16xi32> -> vector<16xf32>
      %mul3A_301 = arith.constant 5.000000e-01 : f32
      %mul3A_302 = vector.broadcast %mul3A_301 : f32 to vector<16xf32>
      %mul3A_303 = arith.mulf %mul3A_302, %mul3A_294 : vector<16xf32>
      %mul3A_304 = arith.mulf %mul3A_303, %bitcast_convert_type3A_300 : vector<16xf32>
      %mul3A_305 = arith.mulf %mul3A_304, %bitcast_convert_type3A_300 : vector<16xf32>
      %sub3A_306 = arith.constant 1.500000e+00 : f32
      %sub3A_307 = vector.broadcast %sub3A_306 : f32 to vector<16xf32>
      %sub3A_308 = arith.subf %sub3A_307, %mul3A_305 : vector<16xf32>
      %mul3A_309 = arith.mulf %bitcast_convert_type3A_300, %sub3A_308 : vector<16xf32>
      %mul3A_310 = arith.constant 5.000000e-01 : f32
      %mul3A_311 = vector.broadcast %mul3A_310 : f32 to vector<16xf32>
      %mul3A_312 = arith.mulf %mul3A_311, %mul3A_294 : vector<16xf32>
      %mul3A_313 = arith.mulf %mul3A_312, %mul3A_309 : vector<16xf32>
      %mul3A_314 = arith.mulf %mul3A_313, %mul3A_309 : vector<16xf32>
      %sub3A_315 = arith.constant 1.500000e+00 : f32
      %sub3A_316 = vector.broadcast %sub3A_315 : f32 to vector<16xf32>
      %sub3A_317 = arith.subf %sub3A_316, %mul3A_314 : vector<16xf32>
      %mul3A_318 = arith.mulf %mul3A_309, %sub3A_317 : vector<16xf32>
      %mul3A_319 = arith.constant 5.000000e-01 : f32
      %mul3A_320 = vector.broadcast %mul3A_319 : f32 to vector<16xf32>
      %mul3A_321 = arith.mulf %mul3A_320, %mul3A_294 : vector<16xf32>
      %mul3A_322 = arith.mulf %mul3A_321, %mul3A_318 : vector<16xf32>
      %mul3A_323 = arith.mulf %mul3A_322, %mul3A_318 : vector<16xf32>
      %sub3A_324 = arith.constant 1.500000e+00 : f32
      %sub3A_325 = vector.broadcast %sub3A_324 : f32 to vector<16xf32>
      %sub3A_326 = arith.subf %sub3A_325, %mul3A_323 : vector<16xf32>
      %mul3A_327 = arith.mulf %mul3A_318, %sub3A_326 : vector<16xf32>
      %mul3A_328 = arith.mulf %mul3A_327, %mul3A_327 : vector<16xf32>
      %get3A_329 = arith.index_cast %scan3A_275 : i32 to index
      %get3A_330 = arith.constant 0 : index
      %get3A_331 = tpu.vector_load %arg8[%get3A_329, %get3A_330] {strides = array<i32>} : memref<128x64xf32, #tpu.memory_space<vmem>>, vector<16xf32>,
      %get3A_332 = arith.index_cast %scan3A_275 : i32 to index
      %get3A_333 = arith.constant 16 : index
      %get3A_334 = tpu.vector_load %arg8[%get3A_332, %get3A_333] {strides = array<i32>} : memref<128x64xf32, #tpu.memory_space<vmem>>, vector<16xf32>,
      %get3A_335 = arith.index_cast %scan3A_275 : i32 to index
      %get3A_336 = arith.constant 32 : index
      %get3A_337 = tpu.vector_load %arg8[%get3A_335, %get3A_336] {strides = array<i32>} : memref<128x64xf32, #tpu.memory_space<vmem>>, vector<16xf32>,
      %get3A_338 = arith.index_cast %scan3A_275 : i32 to index
      %get3A_339 = arith.constant 48 : index
      %get3A_340 = tpu.vector_load %arg8[%get3A_338, %get3A_339] {strides = array<i32>} : memref<128x64xf32, #tpu.memory_space<vmem>>, vector<16xf32>,
      %mul3A_341 = arith.mulf %get3A_331, %get3A_331 : vector<16xf32>
      %mul3A_342 = arith.mulf %get3A_334, %get3A_334 : vector<16xf32>
      %add3A_343 = arith.addf %mul3A_341, %mul3A_342 : vector<16xf32>
      %mul3A_344 = arith.mulf %get3A_337, %get3A_337 : vector<16xf32>
      %add3A_345 = arith.addf %add3A_343, %mul3A_344 : vector<16xf32>
      %mul3A_346 = arith.mulf %get3A_340, %get3A_340 : vector<16xf32>
      %add3A_347 = arith.addf %add3A_345, %mul3A_346 : vector<16xf32>
      %masked_sort3A = arith.constant dense<true> : vector<16xi1>
      %masked_sort3A_348 = arith.constant -2147483648 : i32
      %masked_sort3A_349 = vector.broadcast %masked_sort3A_348 : i32 to vector<16xi32>
      %masked_sort3A_350 = arith.xori %xor3A_256, %masked_sort3A_349 : vector<16xi32>
      %masked_sort3A_351, %masked_sort3A_352, %masked_sort3A_353 = tpu.sort %masked_sort3A_350, %add3A_347 masked %masked_sort3A : (vector<16xi32>, vector<16xf32>, vector<16xi1>) -> (vector<16xi1>, vector<16xi32>, vector<16xf32>)
      %masked_sort3A_354 = arith.xori %masked_sort3A_352, %masked_sort3A_349 : vector<16xi32>
      %add3A_355 = arith.addf %add3A_347, %masked_sort3A_353 : vector<16xf32>
      %masked_sort3A_356 = arith.constant dense<true> : vector<16xi1>
      %masked_sort3A_357 = arith.constant -2147483648 : i32
      %masked_sort3A_358 = vector.broadcast %masked_sort3A_357 : i32 to vector<16xi32>
      %masked_sort3A_359 = arith.xori %xor3A_259, %masked_sort3A_358 : vector<16xi32>
      %masked_sort3A_360, %masked_sort3A_361, %masked_sort3A_362 = tpu.sort %masked_sort3A_359, %add3A_355 masked %masked_sort3A_356 : (vector<16xi32>, vector<16xf32>, vector<16xi1>) -> (vector<16xi1>, vector<16xi32>, vector<16xf32>)
      %masked_sort3A_363 = arith.xori %masked_sort3A_361, %masked_sort3A_358 : vector<16xi32>
      %add3A_364 = arith.addf %add3A_355, %masked_sort3A_362 : vector<16xf32>
      %masked_sort3A_365 = arith.constant dense<true> : vector<16xi1>
      %masked_sort3A_366 = arith.constant -2147483648 : i32
      %masked_sort3A_367 = vector.broadcast %masked_sort3A_366 : i32 to vector<16xi32>
      %masked_sort3A_368 = arith.xori %xor3A_262, %masked_sort3A_367 : vector<16xi32>
      %masked_sort3A_369, %masked_sort3A_370, %masked_sort3A_371 = tpu.sort %masked_sort3A_368, %add3A_364 masked %masked_sort3A_365 : (vector<16xi32>, vector<16xf32>, vector<16xi1>) -> (vector<16xi1>, vector<16xi32>, vector<16xf32>)
      %masked_sort3A_372 = arith.xori %masked_sort3A_370, %masked_sort3A_367 : vector<16xi32>
      %add3A_373 = arith.addf %add3A_364, %masked_sort3A_371 : vector<16xf32>
      %masked_sort3A_374 = arith.constant dense<true> : vector<16xi1>
      %masked_sort3A_375 = arith.constant -2147483648 : i32
      %masked_sort3A_376 = vector.broadcast %masked_sort3A_375 : i32 to vector<16xi32>
      %masked_sort3A_377 = arith.xori %xor3A_265, %masked_sort3A_376 : vector<16xi32>
      %masked_sort3A_378, %masked_sort3A_379, %masked_sort3A_380 = tpu.sort %masked_sort3A_377, %add3A_373 masked %masked_sort3A_374 : (vector<16xi32>, vector<16xf32>, vector<16xi1>) -> (vector<16xi1>, vector<16xi32>, vector<16xf32>)
      %masked_sort3A_381 = arith.xori %masked_sort3A_379, %masked_sort3A_376 : vector<16xi32>
      %add3A_382 = arith.addf %add3A_373, %masked_sort3A_380 : vector<16xf32>
      %broadcast_in_dim3A_383 = arith.constant 1597463007 : i32
      %broadcast_in_dim3A_384 = vector.broadcast %broadcast_in_dim3A_383 : i32 to vector<16xi32>
      %bitcast_convert_type3A_385 = tpu.bitcast %add3A_382 : vector<16xf32> -> vector<16xi32>
      %shift_right_arithmetic3A_386 = arith.constant 1 : i32
      %shift_right_arithmetic3A_387 = vector.broadcast %shift_right_arithmetic3A_386 : i32 to vector<16xi32>
      %shift_right_arithmetic3A_388 = arith.shrsi %bitcast_convert_type3A_385, %shift_right_arithmetic3A_387 : vector<16xi32>
      %sub3A_389 = arith.subi %broadcast_in_dim3A_384, %shift_right_arithmetic3A_388 : vector<16xi32>
      %bitcast_convert_type3A_390 = tpu.bitcast %sub3A_389 : vector<16xi32> -> vector<16xf32>
      %mul3A_391 = arith.constant 5.000000e-01 : f32
      %mul3A_392 = vector.broadcast %mul3A_391 : f32 to vector<16xf32>
      %mul3A_393 = arith.mulf %mul3A_392, %add3A_382 : vector<16xf32>
      %mul3A_394 = arith.mulf %mul3A_393, %bitcast_convert_type3A_390 : vector<16xf32>
      %mul3A_395 = arith.mulf %mul3A_394, %bitcast_convert_type3A_390 : vector<16xf32>
      %sub3A_396 = arith.constant 1.500000e+00 : f32
      %sub3A_397 = vector.broadcast %sub3A_396 : f32 to vector<16xf32>
      %sub3A_398 = arith.subf %sub3A_397, %mul3A_395 : vector<16xf32>
      %mul3A_399 = arith.mulf %bitcast_convert_type3A_390, %sub3A_398 : vector<16xf32>
      %mul3A_400 = arith.constant 5.000000e-01 : f32
      %mul3A_401 = vector.broadcast %mul3A_400 : f32 to vector<16xf32>
      %mul3A_402 = arith.mulf %mul3A_401, %add3A_382 : vector<16xf32>
      %mul3A_403 = arith.mulf %mul3A_402, %mul3A_399 : vector<16xf32>
      %mul3A_404 = arith.mulf %mul3A_403, %mul3A_399 : vector<16xf32>
      %sub3A_405 = arith.constant 1.500000e+00 : f32
      %sub3A_406 = vector.broadcast %sub3A_405 : f32 to vector<16xf32>
      %sub3A_407 = arith.subf %sub3A_406, %mul3A_404 : vector<16xf32>
      %mul3A_408 = arith.mulf %mul3A_399, %sub3A_407 : vector<16xf32>
      %mul3A_409 = arith.constant 5.000000e-01 : f32
      %mul3A_410 = vector.broadcast %mul3A_409 : f32 to vector<16xf32>
      %mul3A_411 = arith.mulf %mul3A_410, %add3A_382 : vector<16xf32>
      %mul3A_412 = arith.mulf %mul3A_411, %mul3A_408 : vector<16xf32>
      %mul3A_413 = arith.mulf %mul3A_412, %mul3A_408 : vector<16xf32>
      %sub3A_414 = arith.constant 1.500000e+00 : f32
      %sub3A_415 = vector.broadcast %sub3A_414 : f32 to vector<16xf32>
      %sub3A_416 = arith.subf %sub3A_415, %mul3A_413 : vector<16xf32>
      %mul3A_417 = arith.mulf %mul3A_408, %sub3A_416 : vector<16xf32>
      %mul3A_418 = arith.mulf %add3A_382, %mul3A_328 : vector<16xf32>
      %mul3A_419 = arith.mulf %mul3A_418, %mul3A_328 : vector<16xf32>
      %gt3A = arith.constant 1.000000e-24 : f32
      %gt3A_420 = vector.broadcast %gt3A : f32 to vector<16xf32>
      %gt3A_421 = arith.cmpf ogt, %mul3A_419, %gt3A_420 : vector<16xf32>
      %mul3A_422 = arith.constant 9.99999995E+11 : f32
      %mul3A_423 = vector.broadcast %mul3A_422 : f32 to vector<16xf32>
      %mul3A_424 = arith.mulf %mul3A_328, %mul3A_423 : vector<16xf32>
      %select_n3A_425 = arith.select %gt3A_421, %mul3A_417, %mul3A_424 : vector<16xi1>, vector<16xf32>
      %mul3A_426 = arith.mulf %get3A_331, %select_n3A_425 : vector<16xf32>
      %swap3A = arith.index_cast %scan3A_275 : i32 to index
      %swap3A_427 = arith.constant 0 : index
      %swap3A_428 = tpu.vector_load %arg8[%swap3A, %swap3A_427] {strides = array<i32>} : memref<128x64xf32, #tpu.memory_space<vmem>>, vector<16xf32>,
      tpu.vector_store %arg8[%swap3A, %swap3A_427], %mul3A_426 {strides = array<i32>} : memref<128x64xf32, #tpu.memory_space<vmem>>, vector<16xf32>,
      %mul3A_429 = arith.mulf %get3A_334, %select_n3A_425 : vector<16xf32>
      %swap3A_430 = arith.index_cast %scan3A_275 : i32 to index
      %swap3A_431 = arith.constant 16 : index
      %swap3A_432 = tpu.vector_load %arg8[%swap3A_430, %swap3A_431] {strides = array<i32>} : memref<128x64xf32, #tpu.memory_space<vmem>>, vector<16xf32>,
      tpu.vector_store %arg8[%swap3A_430, %swap3A_431], %mul3A_429 {strides = array<i32>} : memref<128x64xf32, #tpu.memory_space<vmem>>, vector<16xf32>,
      %mul3A_433 = arith.mulf %get3A_337, %select_n3A_425 : vector<16xf32>
      %swap3A_434 = arith.index_cast %scan3A_275 : i32 to index
      %swap3A_435 = arith.constant 32 : index
      %swap3A_436 = tpu.vector_load %arg8[%swap3A_434, %swap3A_435] {strides = array<i32>} : memref<128x64xf32, #tpu.memory_space<vmem>>, vector<16xf32>,
      tpu.vector_store %arg8[%swap3A_434, %swap3A_435], %mul3A_433 {strides = array<i32>} : memref<128x64xf32, #tpu.memory_space<vmem>>, vector<16xf32>,
      %mul3A_437 = arith.mulf %get3A_340, %select_n3A_425 : vector<16xf32>
      %swap3A_438 = arith.index_cast %scan3A_275 : i32 to index
      %swap3A_439 = arith.constant 48 : index
      %swap3A_440 = tpu.vector_load %arg8[%swap3A_438, %swap3A_439] {strides = array<i32>} : memref<128x64xf32, #tpu.memory_space<vmem>>, vector<16xf32>,
      tpu.vector_store %arg8[%swap3A_438, %swap3A_439], %mul3A_437 {strides = array<i32>} : memref<128x64xf32, #tpu.memory_space<vmem>>, vector<16xf32>,
      %scan3A_441 = arith.constant 0 : i32
      scf.yield %scan3A_441 : i32
    }
    %scan3A_272 = arith.constant 128 : i32
    %mul3A_273 = arith.constant 128 : i32
    %mul3A_274 = arith.muli %add3A, %mul3A_273 : i32
    "tpu.region"() ({
      %run_scoped3A_275 = tpu.sem_alloc : memref<!tpu.dma_semaphore, #tpu.memory_space<semaphore_mem>>
      %dma_start3A_276 = arith.constant 0 : i32
      %dma_start3A_277 = tpu.memref_slice %arg5[%mul3A_274, %dma_start3A_276] : memref<4096x64xf32, #tpu.memory_space<hbm>> -> memref<128x64xf32, #tpu.memory_space<hbm>>
      %dma_start3A_278 = arith.constant 0 : i32
      %dma_start3A_279 = tpu.memref_slice %arg5[%mul3A_274, %dma_start3A_278] : memref<4096x64xf32, #tpu.memory_space<hbm>> -> memref<128x64xf32, #tpu.memory_space<hbm>>
      tpu.enqueue_dma source(%arg8 : memref<128x64xf32, #tpu.memory_space<vmem>>) target(%dma_start3A_279 : memref<128x64xf32, #tpu.memory_space<hbm>>) target_semaphore(%run_scoped3A_275 : memref<!tpu.dma_semaphore, #tpu.memory_space<semaphore_mem>>)
      %dma_wait3A_280 = arith.constant 0 : i32
      %dma_wait3A_281 = tpu.memref_slice %arg5[%mul3A_274, %dma_wait3A_280] : memref<4096x64xf32, #tpu.memory_space<hbm>> -> memref<128x64xf32, #tpu.memory_space<hbm>>
      %dma_wait3A_282 = arith.constant 0 : i32
      %dma_wait3A_283 = tpu.memref_slice %arg5[%mul3A_274, %dma_wait3A_282] : memref<4096x64xf32, #tpu.memory_space<hbm>> -> memref<128x64xf32, #tpu.memory_space<hbm>>
      tpu.wait_dma2 semaphore(%run_scoped3A_275 : memref<!tpu.dma_semaphore, #tpu.memory_space<semaphore_mem>>) src(%arg8 : memref<128x64xf32, #tpu.memory_space<vmem>>) dst(%dma_wait3A_283 : memref<128x64xf32, #tpu.memory_space<hbm>>)
      tpu.yield
    }) : () -> ()
    return
  }
}

</mosaic_0001>

<sc_bundles>
// kernel: _run.3.cloned.1.call-start
scs
__scs_entry_jumppad:
0x0: {  	(pc) =	sbr.rel $0x88, $3  }
0x1: {  	(tag) =	ssettag $0x0;
	lr =	simm.s32 $0x1  }
0x2: {  	[smem:$0x3F9E] =	sst lr;
	_ =	strace $0xD0000000  }
0x3: {  	_ = 	snop  }
0x4: {  	_ = 	snop  }
0x5: {  	_ = 	snop  }
0x6: {  	_ = 	snop  }
0x7: {  	_ = 	snop  }
__scs_overlays_trampoline_lowered:
0x8: {  	[smem:$0x3FAD] =	sst s0  }
0x9: {  	[smem:$0x3FAE] =	sst s1  }
0xa: {  	[smem:$0x3FAF] =	sst s2  }
0xb: {  	[smem:$0x3FB0] =	sst s3  }
0xc: {  	[smem:$0x3FB1] =	sst s4  }
0xd: {  	[smem:$0x3FB2] =	sst s5  }
0xe: {  	[smem:$0x3FB3] =	sst s6  }
0xf: {  	[smem:$0x3FB4] =	sst s7  }
0x10: {  	[smem:$0x3FB5] =	sst s8  }
0x11: {  	[smem:$0x3FB6] =	sst s9;
	s0 =	simm.s32 @!p0 $0x0  }
0x12: {  	s1 =	sld [smem:$0x3F9C];
	s0 =	simm.s32 @p0 $0x1  }
0x13: {  	[smem:$0x3FB7] =	sst s0;
	s0 =	simm.s32 @!p1 $0x0  }
0x14: {  	s2 =	sld [smem:$0x3F9B];
	s0 =	simm.s32 @p1 $0x1  }
0x15: {  	[smem:$0x3FB8] =	sst s0;
	s0 =	simm.s32 @!p2 $0x0  }
0x16: {  	s3 =	sld [smem:$0x3FDB];
	s0 =	simm.s32 @p2 $0x1  }
0x17: {  	s4 =	simm.s32 $0x1BF5;
	[smem:$0x3FBA] =	sst s0  }
0x18: {  	s0 =	sld [smem:$0x3F9D];
	_ =	swait.ge [sflag:s4], $0x0  }
0x19: {  	s7 =	sld [smem:$0x3F9E]  }
0x1a: {  	s8 =	sadd.s32 $0xFFFFE003, lr  }
0x1b: {  	s9 =	sadd.s32 $0xFFFFFEF7, lr;
	s5 =	simm.s32 $0xFFFFFFFF;
	p2 =	slt.u32 s8, $0xFFFFF086  }
0x1c: {  	p1 =	slt.u32 s9, $0xF7A;
	s5 =	simm.s32 @!p2 $0x0  }
0x1d: {  	s5 =	simm.s32 @p1 $0x1;
	p0 =	seq.s32 s7, s2  }
0x1e: {  	s7 =	smul.u32 @!p0 $0xF7A, s2;
	p2 =	seq.s32 @!p0 s5, $0x0  }
0x1f: {  	s9 =	smul.u32 $0xF7A, s1;
	s8 =	simm.s32 @!p0 $0x1BF5;
	p2 =	por !p2, p0  }
0x20: {  	[sflag:s8] =	ssyncset.s32 @!p0 $0xFFFFF086;
	s6 =	sadd.s32 @!p0 s3, s7;
	s7 =	simm.s32 @!p0 $0x108  }
0x21: {  	s3 =	sadd.s32 s3, s9;
	s6 =	sadd.s32 @!p0 $0x88, s6;
	s7 =	simm.s32 @p2 $0x1082  }
0x22: {  	[simem:s7], [sflag:s8] =	dma.local @!p0 [hbm:s6], $0xF7A  }
0x23: {  	s9 =	sor.u32 $0xD0000000, s2;
	s6 =	simm.s32 $0x108;
	_ =	swait.ge @!p0 [sflag:s8], $0x0  }
0x24: {  	s3 =	sadd.s32 $0x88, s3;
	s6 =	simm.s32 @!p1 $0x1082;
	[sflag:s4] =	ssyncset.s32 $0xFFFFF086  }
0x25: {  	[simem:s6], [sflag:s4] =	dma.local [hbm:s3], $0xF7A  }
0x26: {  	[smem:$0x3F9E] =	sst s1;
	(tag) =	ssettag s2;
	_ =	strace s9  }
0x27: {  	s1 =	sld [smem:$0x3FAE]  }
0x28: {  	s2 =	sld [smem:$0x3FAF]  }
0x29: {  	s4 =	sld [smem:$0x3FB1]  }
0x2a: {  	p0 =	seq.s32 s5, $0x0;
	s5 =	sld [smem:$0x3FB2]  }
0x2b: {  	s6 =	sld [smem:$0x3FB3]  }
0x2c: {  	s7 =	sld [smem:$0x3FB4]  }
0x2d: {  	s3 =	simm.s32 $0x108;
	s8 =	sld [smem:$0x3FB5]  }
0x2e: {  	s3 =	simm.s32 @!p0 $0x1082;
	s9 =	sld [smem:$0x3FB6]  }
0x2f: {  	lr =	sadd.s32 s0, s3;
	s0 =	sld [smem:$0x3FAD]  }
0x30: {  	s3 =	sld [smem:$0x3FB0]  }
0x31: {  	[smem:$0x3FB9] =	sst s10  }
0x32: {  	s10 =	sld [smem:$0x3FB7];
	_ =	sdelay $0x3  }
0x33: {  	p0 =	seq.s32 s10, $0x1;
	s10 =	sld [smem:$0x3FB9];
	_ =	sdelay $0x3  }
0x34: {  	[smem:$0x3FB9] =	sst s10  }
0x35: {  	s10 =	sld [smem:$0x3FB8];
	_ =	sdelay $0x3  }
0x36: {  	p1 =	seq.s32 s10, $0x1;
	s10 =	sld [smem:$0x3FB9];
	_ =	sdelay $0x3  }
0x37: {  	[smem:$0x3FB9] =	sst s10  }
0x38: {  	s10 =	sld [smem:$0x3FBA]  }
0x39: {  	_ = 	snop;
	(pc) =	sbr.ind lr, $3  }
0x3a: {  	_ = 	snop  }
0x3b: {  	_ = 	snop  }
0x3c: {  	p2 =	seq.s32 s10, $0x1;
	s10 =	sld [smem:$0x3FB9]  }
0x3d: {  	_ =	shalt  }
0x3e: {  	_ =	shalt  }
0x3f: {  	_ =	shalt  }
0x40: {  	_ =	shalt  }
0x41: {  	_ =	shalt  }
0x42: {  	_ =	shalt  }
0x43: {  	_ =	shalt  }
0x44: {  	_ =	shalt  }
0x45: {  	_ =	shalt  }
0x46: {  	_ =	shalt  }
0x47: {  	_ =	shalt  }
0x48: {  	_ =	shalt  }
0x49: {  	_ =	shalt  }
0x4a: {  	_ =	shalt  }
0x4b: {  	_ =	shalt  }
0x4c: {  	_ =	shalt  }
0x4d: {  	_ =	shalt  }
0x4e: {  	_ =	shalt  }
0x4f: {  	_ =	shalt  }
0x50: {  	_ =	shalt  }
0x51: {  	_ =	shalt  }
0x52: {  	_ =	shalt  }
0x53: {  	_ =	shalt  }
0x54: {  	_ =	shalt  }
0x55: {  	_ =	shalt  }
0x56: {  	_ =	shalt  }
0x57: {  	_ =	shalt  }
0x58: {  	_ =	shalt  }
0x59: {  	_ =	shalt  }
0x5a: {  	_ =	shalt  }
0x5b: {  	_ =	shalt  }
0x5c: {  	_ =	shalt  }
0x5d: {  	_ =	shalt  }
0x5e: {  	_ =	shalt  }
0x5f: {  	_ =	shalt  }
0x60: {  	_ =	shalt  }
0x61: {  	_ =	shalt  }
0x62: {  	_ =	shalt  }
0x63: {  	_ =	shalt  }
0x64: {  	_ =	shalt  }
0x65: {  	_ =	shalt  }
0x66: {  	_ =	shalt  }
0x67: {  	_ =	shalt  }
0x68: {  	_ =	shalt  }
0x69: {  	_ =	shalt  }
0x6a: {  	_ =	shalt  }
0x6b: {  	_ =	shalt  }
0x6c: {  	_ =	shalt  }
0x6d: {  	_ =	shalt  }
0x6e: {  	_ =	shalt  }
0x6f: {  	_ =	shalt  }
0x70: {  	_ =	shalt  }
0x71: {  	_ =	shalt  }
0x72: {  	_ =	shalt  }
0x73: {  	_ =	shalt  }
0x74: {  	_ =	shalt  }
0x75: {  	_ =	shalt  }
0x76: {  	_ =	shalt  }
0x77: {  	_ =	shalt  }
0x78: {  	_ =	shalt  }
0x79: {  	_ =	shalt  }
0x7a: {  	_ =	shalt  }
0x7b: {  	_ =	shalt  }
0x7c: {  	_ =	shalt  }
0x7d: {  	_ =	shalt  }
0x7e: {  	_ =	shalt  }
0x7f: {  	_ =	shalt  }
0x80: {  	_ =	shalt  }
0x81: {  	_ =	shalt  }
0x82: {  	_ =	shalt  }
0x83: {  	_ =	shalt  }
0x84: {  	_ =	shalt  }
0x85: {  	_ =	shalt  }
0x86: {  	_ =	shalt  }
0x87: {  	_ =	shalt  }
.Lfunc_end0:
.L_simem_size_0:
called_computation_lowered:
.L_overlay_start_0:
0x88: {  	s2 =	sld [smem:$0x3FD9]  }
0x89: {  	s3 =	sld [smem:$0x3FFE];
	_ =	sdelay $0x1  }
0x8a: {  	s1 =	srdreg.scid  }
0x8b: {  	s0 =	sand.u32 $0x1, s1  }
0x8c: {  	s17 =	sshll.u32 s0, $0xA;
	s2 =	sadd.s32 s3, s2  }
0x8d: {  	s2 =	sadd.s32 s2, s17  }
0x8e: {  	[smem:$0x3FC5] =	sst s2  }
0x8f: {  	_ = 	snop  }
0x90: {  	s2 =	sld [smem:$0x3FC9]  }
0x91: {  	s18 =	sld [smem:$0x3FC8]  }
0x92: {  	s4 =	sld [smem:$0x3FD0];
	(tm) =	ssettm $0x1  }
0x93: {  	s5 =	sld [smem:$0x3FFB];
	_ =	sdelay $0x3  }
0x94: {  	_ =	strace s5  }
0x95: {  	s5 =	sld [smem:$0x3FFC];
	_ =	sdelay $0x3  }
0x96: {  	_ =	strace s5  }
0x97: {  	s5 =	sld [smem:$0x3FFD];
	_ =	sdelay $0x3  }
0x98: {  	_ =	strace s5  }
0x99: {  	_ =	strace $0x8FFFFFFF  }
0x9a: {  	s19 =	sld [smem:$0x3FDB];
	_ =	sdelay $0x1  }
0x9b: {  	s6 =	simm.s32 $_scs_section_size  }
0x9c: {  	s7 =	simm.s32 $_size__tile_overlayer_lowered;
	s8 =	simm.s32 $_tile_overlayer_lowered  }
0x9d: {  	s22 =	simm.s32 $0x1BFF;
	s21 =	sshll.u32 s8, $0x1;
	s5 =	sadd.s32 s6, s19  }
0x9e: {  	s9 =	simm.s32 $0x0;
	s20 =	sshll.u32 s7, $0x1;
	s7 =	sadd.s32 s21, s5  }
0x9f: {  	[timem:s9], [sflag:s22] =	dma.local [hbm:s7], s20  }
0xa0: {  	_ =	swait.ge [sflag:s22], s20  }
0xa1: {  	s6 =	ssub.s32 $0x0, s20;
	[sflag:s22] =	ssyncset.done $0x0  }
0xa2: {  	[sflag:s22] =	ssyncadd.s32 s6;
	_ =	sdelay $0x1  }
0xa3: {  	s23 =	simm.s32 $0x1B8B  }
0xa4: {  	_ =	swait.ge [sflag:s23], $0x1  }
0xa5: {  	[sflag:s23] =	ssyncset.done $0x0  }
0xa6: {  	s25 =	simm.s32 $0x1B8E;
	s24 =	sld [smem:$0x3FFE];
	[sflag:s23] =	ssyncadd.s32 $0xFFFFFFFF  }
0xa7: {  	s26 =	simm.s32 $execute0_lowered;
	[smem:$0x3FD2] =	sst s25  }
0xa8: {  	s7 =	sshll.u32 s26, $0x1;
	_ =	strace $0x80000046;
	[dreg:$0x1] =	wrdreg $0xFFFFFFFF  }
0xa9: {  	s28 =	simm.s32 $_size_execute0_lowered;
	s5 =	sadd.s32 s5, s7;
	[dreg:$0x0] =	wrdreg $0x0  }
0xaa: {  	s7 =	sshll.u32 s28, $0x1;
	[dreg:$0x2] =	wrdreg s5  }
0xab: {  	[dreg:$0x3] =	wrdreg s7  }
0xac: {  	[dreg:$0x4] =	wrdreg $0xC0  }
0xad: {  	_ =	task [dreg:s9], $0x5FFFF  }
0xae: {  	[dreg:$0x1] =	wrdreg $0xFFFFFFFF  }
0xaf: {  	[dreg:$0x0] =	wrdreg $0x60  }
0xb0: {  	[dreg:$0x2] =	wrdreg s2  }
0xb1: {  	[dreg:$0x3] =	wrdreg s18  }
0xb2: {  	[dreg:$0x4] =	wrdreg s24  }
0xb3: {  	[dreg:$0x5] =	wrdreg s4  }
0xb4: {  	[dreg:$0x6] =	wrdreg $0x9  }
0xb5: {  	_ =	task.clear_ibuf [dreg:s9], $0x7FFFF;
	_ =	strace $0x90000046  }
0xb6: {  	s29 =	simm.s32 $0x9;
	_ =	strace $0x80000048  }
0xb7: {  	_ =	swait.ge [sflag:s29], $0x1  }
0xb8: {  	[sflag:s29] =	ssyncadd.s32 $0xFFFFFFFF  }
0xb9: {  	_ =	strace $0x90000048  }
0xba: {  	_ =	sfence  }
0xbb: {  	s30 =	sld [smem:$0x0];
	_ =	sdelay $0x2  }
0xbc: {  	s31 =	sshll.u32 s1, $0xD;
	s1 =	sshrl.u32 s1, $0x2  }
0xbd: {  	s3 =	sand.u32 $0x4000, s31;
	s1 =	sadd.s32 s1, s30  }
0xbe: {  	s0 =	sor.u32 s3, s0;
	s1 =	sshll.u32 s1, $0x11  }
0xbf: {  	s0 =	sor.u32 s1, s0  }
0xc0: {  	s0 =	sadd.s32 $0x8F2B, s0  }
0xc1: {  	[sflag:s0] =	ssyncadd.remote.s32 $0x1  }
0xc2: {  	_ =	sfence.sel $0xFFFF  }
0xc3: {  	[dreg:$0x0] =	wrdreg $0xFFFFFFFF;
	(pc) =	sbr.abs _section_cstart, $3  }
0xc4: {  	[dreg:$0x1] =	wrdreg $0xFFFFFFFF  }
0xc5: {  	_ =	task.clear_ibuf [dreg:s9], $0x2FFFF;
	_ =	strace $0x9FFFFFFF  }
0xc6: {  	(tm) =	ssettm $0x7FFFFFFF  }
0xc7: {  	_ =	shalt  }
tec
execute0_lowered:
.L_overlay_start_1:
0x0: {  	(tag) =	ssettag $0x1  }
0x1: {  	vm14 =	vcmask $0x300  }
0x2: {  	v0 =	vimm.s32 $0x8000000E;
	vm11 =	vcmask $0x704;
	vm12 =	vcmask $0xB08  }
0x3: {  	vm13 =	vcmask $0xF0C;
	vm8 =	vcmask $0x1310;
	vm9 =	vcmask $0x1714  }
0x4: {  	vm10 =	vcmask $0x1B18;
	vm7 =	vcmask $0x1F1C;
	vm6 =	vcmask $0x2320  }
0x5: {  	vm5 =	vcmask $0x2724;
	vm4 =	vcmask $0x2B28;
	vm3 =	vcmask $0x2F2C  }
0x6: {  	s0 =	rddreg [dreg:$0x0];
	vm2 =	vcmask $0x3330;
	vm0 =	vcmask $0x3734;
	v1 =	vimm.s32 $0x8000000D  }
0x7: {  	s3 =	rddreg [dreg:$0x2];
	s2 =	simm.s32 $0x0;
	v2 =	vimm.s32 $0x8000000B;
	v3 =	vimm.s32 $0x80000007;
	v0 =	vsel vm14, $0x80000001, v0  }
0x8: {  	vm1 =	vcmask $0x3B38;
	[smem:$0x7FF] =	sst s2;
	s3 =	sadd.s32 $0xF42800, s3;
	v1 =	vsel vm14, $0x80000002, v1  }
0x9: {  	s1 =	rddreg [dreg:$0x1];
	v2 =	vsel vm14, $0x80000004, v2;
	v3 =	vsel vm14, $0x80000008, v3;
	v0 =	vsel vm11, $0x80000000, v0  }
0xa: {  	s4 =	rddreg [dreg:$0x3];
	_ =	strace $0x80000047;
	v1 =	vsel vm11, $0x80000003, v1;
	v2 =	vsel vm11, $0x80000005, v2  }
0xb: {  	v3 =	vsel vm11, $0x80000009, v3;
	v0 =	vsel vm12, $0x80000003, v0;
	v1 =	vsel vm12, $0x80000000, v1  }
0xc: {  	v2 =	vsel vm12, $0x80000006, v2;
	v3 =	vsel vm12, $0x8000000A, v3;
	v0 =	vsel vm13, $0x80000002, v0  }
0xd: {  	v1 =	vsel vm13, $0x80000001, v1;
	v2 =	vsel vm13, $0x80000007, v2;
	v3 =	vsel vm13, $0x8000000B, v3  }
0xe: {  	v0 =	vsel vm8, $0x80000005, v0;
	v1 =	vsel vm8, $0x80000006, v1;
	v2 =	vsel vm8, $0x80000000, v2  }
0xf: {  	v3 =	vsel vm8, $0x8000000C, v3;
	v0 =	vsel vm9, $0x80000004, v0;
	v1 =	vsel vm9, $0x80000007, v1  }
0x10: {  	v2 =	vsel vm9, $0x80000001, v2;
	v3 =	vsel vm9, $0x8000000D, v3;
	v0 =	vsel vm10, $0x80000007, v0  }
0x11: {  	v1 =	vsel vm10, $0x80000004, v1;
	v2 =	vsel vm10, $0x80000002, v2;
	v3 =	vsel vm10, $0x8000000E, v3  }
0x12: {  	v0 =	vsel vm7, $0x80000006, v0;
	v1 =	vsel vm7, $0x80000005, v1;
	v2 =	vsel vm7, $0x80000003, v2  }
0x13: {  	v3 =	vsel vm7, $0x8000000F, v3;
	v0 =	vsel vm6, $0x80000009, v0;
	v1 =	vsel vm6, $0x8000000A, v1  }
0x14: {  	s10 =	simm.s32 $0x200;
	v2 =	vsel vm6, $0x8000000C, v2;
	v3 =	vsel vm6, $0x80000000, v3;
	v0 =	vsel vm5, $0x80000008, v0  }
0x15: {  	v1 =	vsel vm5, $0x8000000B, v1;
	v2 =	vsel vm5, $0x8000000D, v2;
	v3 =	vsel vm5, $0x80000001, v3  }
0x16: {  	v0 =	vsel vm4, $0x8000000B, v0;
	v1 =	vsel vm4, $0x80000008, v1;
	v2 =	vsel vm4, $0x8000000E, v2  }
0x17: {  	s5 =	srdreg.scid;
	s6 =	stileid.u32;
	s21 =	simm.s32 $0x3;
	v3 =	vsel vm4, $0x80000002, v3;
	v0 =	vsel vm3, $0x8000000A, v0;
	v1 =	vsel vm3, $0x80000009, v1  }
0x18: {  	s22 =	simm.s32 $0x1;
	s23 =	simm.s32 $0x80;
	s5 =	sand.u32 $0x1, s5;
	v2 =	vsel vm3, $0x8000000F, v2;
	v3 =	vsel vm3, $0x80000003, v3;
	v0 =	vsel vm2, $0x8000000D, v0  }
0x19: {  	s6 =	sshll.u32 s6, $0x8;
	s7 =	sshll.u32 s5, $0x7;
	s5 =	ssub.s32 $0x2, s5;
	v1 =	vsel vm2, $0x8000000E, v1;
	v2 =	vsel vm2, $0x80000008, v2;
	v3 =	vsel vm2, $0x80000004, v3  }
0x1a: {  	s28 =	simm.s32 $0x0;
	s6 =	sor.u32 s7, s6;
	s30 =	sshrl.u32 s5, $0x1;
	v0 =	vsel vm0, $0x8000000C, v0;
	v1 =	vsel vm0, $0x8000000F, v1;
	v4 =	vsel vm0, $0x80000009, v2  }
0x1b: {  	s8 =	sshrl.u32 s6, $0x3;
	s5 =	ssub.s32 s5, s30;
	s31 =	sshll.u32 s6, $0x3;
	v5 =	vsel vm0, $0x80000005, v3;
	v2 =	vimm.f32 $0.0e+00;
	v0 =	vsel vm1, $0x8000000F, v0  }
0x1c: {  	s18 =	sadd.s32 s1, s8;
	s19 =	sadd.s32 s4, s31;
	s20 =	smax.u32 s5, $0x1;
	v1 =	vsel vm1, $0x8000000C, v1;
	v3 =	vsel vm1, $0x8000000A, v4;
	v4 =	vsel vm1, $0x80000006, v5  }
.LBB2_1:
0x1d: {  	s1 =	simm.s32 $0x12400  }
0x1e: {  	[tilespmem:s1], [sflag:$0x3] =	stream.linear.gather [hbm4b:s18+s2], $0x88, $0x38;
	[tilespmem:$0x12498] =	vst v63  }
0x1f: {  	_ =	swait.ge [sflag:s21], $0x88  }
0x20: {  	[sflag:s21] =	ssyncset.done $0x0  }
0x21: {  	s4 =	simm.s32 $0x100;
	s1 =	simm.s32 $0x0;
	[sflag:s21] =	ssyncadd.s32 $0xFFFFFF78  }
.LBB2_2:
0x22: {  	p0 =	sne.s32 s4, $0x7F00;
	[tilespmem:s1+$0x10430] =	vst v2;
	s5 =	smov.u32 s4;
	s4 =	sadd.s32 $0x100, s4  }
.Ltmp0:
0x23: {  	[tilespmem:s1+$0x10420] =	vst v2;
	(pc) =	sbr.rel @p0 .LBB2_2-.Ltmp0, $3  }
0x24: {  	[tilespmem:s1+$0x10400] =	vst v2  }
0x25: {  	[tilespmem:s1+$0x10410] =	vst v2;
	_ =	sdelay $0x1  }
0x26: {  	s1 =	sshra.s32 s5, $0x2  }
0x27: {  	[tilespmem:s1+$0x10430] =	vst v2  }
0x28: {  	[tilespmem:s1+$0x10420] =	vst v2  }
0x29: {  	[tilespmem:s1+$0x10400] =	vst v2  }
0x2a: {  	[tilespmem:s1+$0x10410] =	vst v2  }
0x2b: {  	v5 =	vld [tilespmem:$0x12400];
	_ =	sdelay $0x4  }
0x2c: {  	(v2sf) =	vpush v5, $0x0;
	_ =	sdelay $0x3  }
0x2d: {  	v5 =	vld [tilespmem:$0x12480];
	_ =	sdelay $0x4  }
0x2e: {  	(v2sf) =	vpush v5, $0x0;
	_ =	sdelay $0x5  }
0x2f: {  	s24 =	spop (v2sf)  }
0x30: {  	s4 =	sand.u32 $0x7F, s24  }
0x31: {  	s5 =	sshra.s32 s24, $0x1F;
	p0 =	slt.s32 s24, $0x1;
	p1 =	sne.s32 s4, $0x0  }
0x32: {  	s25 =	sshrl.u32 s5, $0x19;
	p0 =	por !p0, !p1  }
0x33: {  	s4 =	simm.s32 $0x1;
	s1 =	sadd.s32 s25, s24;
	p0 =	por !p0, !p0  }
0x34: {  	s1 =	sshra.s32 s1, $0x7;
	s4 =	simm.s32 @!p0 $0x0  }
0x35: {  	s4 =	ssub.s32 s1, s4  }
0x36: {  	s29 =	sshll.u32 s4, $0x7  }
0x37: {  	s26 =	sshrl.u32 s29, $0x3  }
0x38: {  	s31 =	simm.s32 $0x0;
	s9 =	spop (v2sf);
	s1 =	sadd.s32 s0, s26  }
0x39: {  	[tilespmem:s31], [sflag:$0x3] =	stream.linear.gather [hbm4b:s1+s31], $0x200, $0x38;
	[tilespmem:$0x12498] =	vst v63  }
0x3a: {  	_ =	swait.ge [sflag:s21], $0x200  }
0x3b: {  	[sflag:s21] =	ssyncset.done $0x0  }
0x3c: {  	s30 =	simm.s32 $0x400;
	[sflag:s21] =	ssyncadd.s32 $0xFFFFFE00  }
0x3d: {  	[tilespmem:s30], [sflag:$0x1] =	stream.indirect.gather [hbm4b:s3+s23], $0x40, s31, s23, $0xb8;
	[tilespmem:$0x12498] =	vst v63  }
0x3e: {  	s5 =	simm.s32 $0x2400  }
0x3f: {  	[tilespmem:s5], [sflag:$0x1] =	stream.indirect.gather [hbm4b:s3+s23], $0x40, s23, s23, $0xb8;
	[tilespmem:$0x12498] =	vst v63  }
0x40: {  	s6 =	simm.s32 $0x4400;
	s7 =	simm.s32 $0x100;
	s12 =	sadd.s32 $0x200, s29  }
0x41: {  	[tilespmem:s6], [sflag:$0x1] =	stream.indirect.gather [hbm4b:s3+s23], $0x40, s7, s23, $0xb8;
	[tilespmem:$0x12498] =	vst v63  }
0x42: {  	s8 =	simm.s32 $0x180;
	s11 =	simm.s32 $0x6400;
	s1 =	sshrl.u32 s12, $0x3  }
0x43: {  	[tilespmem:s11], [sflag:$0x1] =	stream.indirect.gather [hbm4b:s3+s23], $0x40, s8, s23, $0xb8;
	[tilespmem:$0x12498] =	vst v63  }
0x44: {  	s1 =	sadd.s32 s0, s1  }
0x45: {  	[tilespmem:s10], [sflag:$0x3] =	stream.linear.gather [hbm4b:s1+s31], $0x200, $0x38;
	[tilespmem:$0x12498] =	vst v63  }
0x46: {  	_ =	swait.ge [sflag:s21], $0x200  }
0x47: {  	[sflag:s21] =	ssyncset.done $0x0  }
0x48: {  	s13 =	simm.s32 $0x8400;
	[sflag:s21] =	ssyncadd.s32 $0xFFFFFE00  }
0x49: {  	[tilespmem:s13], [sflag:$0x2] =	stream.indirect.gather [hbm4b:s3+s23], $0x40, s10, s23, $0xb8;
	[tilespmem:$0x12498] =	vst v63  }
0x4a: {  	s14 =	simm.s32 $0x280;
	s15 =	simm.s32 $0xA400  }
0x4b: {  	[tilespmem:s15], [sflag:$0x2] =	stream.indirect.gather [hbm4b:s3+s23], $0x40, s14, s23, $0xb8;
	[tilespmem:$0x12498] =	vst v63  }
0x4c: {  	s16 =	simm.s32 $0x300;
	s17 =	simm.s32 $0xC400  }
0x4d: {  	[tilespmem:s17], [sflag:$0x2] =	stream.indirect.gather [hbm4b:s3+s23], $0x40, s16, s23, $0xb8;
	[tilespmem:$0x12498] =	vst v63  }
0x4e: {  	s25 =	simm.s32 $0x380;
	s24 =	ssub.s32 s9, s29;
	s6 =	simm.s32 $0xE400  }
0x4f: {  	[tilespmem:s6], [sflag:$0x2] =	stream.indirect.gather [hbm4b:s3+s23], $0x40, s25, s23, $0xb8;
	[tilespmem:$0x12498] =	vst v63  }
0x50: {  	s4 =	sshll.u32 s4, $0x4;
	s1 =	sadd.s32 $0x1FF, s24;
	_ =	swait.ge [sflag:s22], $0x2000  }
0x51: {  	s4 =	sadd.s32 $0x80, s4;
	s26 =	sshra.s32 s1, $0x1F;
	[sflag:s22] =	ssyncset.done $0x0  }
0x52: {  	s30 =	sand.u32 $0x1FF, s1;
	p5 =	slt.s32 s1, $0x1;
	[sflag:s22] =	ssyncadd.s32 $0xFFFFE000  }
0x53: {  	s5 =	sshrl.u32 s26, $0x17;
	p6 =	sne.s32 s30, $0x0;
	_ =	swait.ge [sflag:s22], $0x2000  }
0x54: {  	s1 =	sadd.s32 s5, s1;
	p0 =	por !p5, !p6;
	[sflag:s22] =	ssyncset.done $0x0  }
0x55: {  	s5 =	simm.s32 $0x1;
	p0 =	por !p0, !p0;
	[sflag:s22] =	ssyncadd.s32 $0xFFFFE000  }
0x56: {  	s1 =	sshra.s32 s1, $0x9;
	s5 =	simm.s32 @!p0 $0x0;
	_ =	swait.ge [sflag:s22], $0x2000  }
.Ltmp1:
0x57: {  	s17 =	ssub.s32 s1, s5;
	[sflag:s22] =	ssyncset.done $0x0;
	(pc) =	sbr.rel .LBB2_4-.Ltmp1, $4  }
0x58: {  	p0 =	sgt.s32 s17, $0x0;
	s1 =	smov.u32 s17;
	[sflag:s22] =	ssyncadd.s32 $0xFFFFE000  }
0x59: {  	s1 =	simm.s32 @!p0 $0x0;
	p0 =	sgt.s32 s17, $0x1;
	_ =	swait.ge [sflag:s22], $0x2000  }
0x5a: {  	s7 =	simm.s32 $0x0;
	s17 =	simm.s32 @!p0 $0x1;
	[sflag:s22] =	ssyncset.done $0x0  }
0x5b: {  	s6 =	simm.s32 $0x0;
	s5 =	sadd.s32 $0x7E, s17;
	[sflag:s22] =	ssyncadd.s32 $0xFFFFE000  }
.LBB2_11:
0x5c: {  	s13 =	sadd.s32 $0x1, s6  }
0x5d: {  	p0 =	sgt.s32 s11, s30;
	p1 =	slt.s32 s13, s1  }
0x5e: {  	p1 =	por !p1, !p0  }
0x5f: {  	p2 =	sne.s32 s8, $0x0;
	p1 =	por !p1, !p1  }
0x60: {  	p2 =	por !p1, p2  }
0x61: {  	[tilespmem:s12+$0x10400] =	vst v11;
	s11 =	sshll.u32 @!p2 s6, $0x6  }
0x62: {  	[tilespmem:s12+$0x10410] =	vst v12;
	s11 =	sadd.s32 @!p2 s4, s11  }
0x63: {  	[tilespmem:s12+$0x10420] =	vst v9;
	s11 =	sand.u32 @!p2 $0x1FFFFFF0, s11  }
0x64: {  	[tilespmem:s12+$0x10430] =	vst v10;
	s12 =	simm.s32 @!p2 $0x0;
	s11 =	sadd.s32 @!p2 s0, s11  }
0x65: {  	[tilespmem:s12], [sflag:$0x3] =	stream.linear.gather @!p2 [hbm4b:s11+s12], $0x200, $0x38;
	[tilespmem:$0x12498] =	vst v63  }
0x66: {  	s11 =	simm.s32 @!p2 $0x3  }
0x67: {  	_ =	swait.ge @!p2 [sflag:s11], $0x200  }
0x68: {  	[sflag:s11] =	ssyncset.done @!p2 $0x0  }
0x69: {  	s14 =	simm.s32 @!p2 $0x400;
	[sflag:s11] =	ssyncadd.s32 @!p2 $0xFFFFFE00;
	s11 =	simm.s32 @!p2 $0x80  }
0x6a: {  	[tilespmem:s14], [sflag:$0x1] =	stream.indirect.gather @!p2 [hbm4b:s3+s11], $0x40, s12, s11, $0xb8;
	[tilespmem:$0x12498] =	vst v63  }
0x6b: {  	s12 =	simm.s32 @!p2 $0x2400  }
0x6c: {  	[tilespmem:s12], [sflag:$0x1] =	stream.indirect.gather @!p2 [hbm4b:s3+s11], $0x40, s11, s11, $0xb8;
	[tilespmem:$0x12498] =	vst v63  }
0x6d: {  	s14 =	simm.s32 @!p2 $0x4400;
	s12 =	simm.s32 @!p2 $0x100  }
0x6e: {  	[tilespmem:s14], [sflag:$0x1] =	stream.indirect.gather @!p2 [hbm4b:s3+s11], $0x40, s12, s11, $0xb8;
	[tilespmem:$0x12498] =	vst v63  }
0x6f: {  	s12 =	simm.s32 @!p2 $0x180;
	s14 =	simm.s32 @!p2 $0x6400  }
0x70: {  	[tilespmem:s14], [sflag:$0x1] =	stream.indirect.gather @!p2 [hbm4b:s3+s11], $0x40, s12, s11, $0xb8;
	[tilespmem:$0x12498] =	vst v63  }
0x71: {  	s11 =	simm.s32 @!p2 $0x2  }
0x72: {  	_ =	swait.ge @!p2 [sflag:s11], $0x2000  }
0x73: {  	[sflag:s11] =	ssyncset.done @!p2 $0x0  }
0x74: {  	[sflag:s11] =	ssyncadd.s32 @!p2 $0xFFFFE000  }
0x75: {  	_ =	swait.ge @!p2 [sflag:s11], $0x2000  }
0x76: {  	p3 =	seq.s32 s8, $0x1;
	[sflag:s11] =	ssyncset.done @!p2 $0x0  }
0x77: {  	p1 =	por !p1, !p3;
	[sflag:s11] =	ssyncadd.s32 @!p2 $0xFFFFE000  }
0x78: {  	p1 =	por !p1, !p1;
	_ =	swait.ge @!p2 [sflag:s11], $0x2000  }
0x79: {  	s8 =	sshll.u32 @p1 s6, $0x6;
	[sflag:s11] =	ssyncset.done @!p2 $0x0  }
0x7a: {  	s8 =	sadd.s32 @p1 s4, s8;
	[sflag:s11] =	ssyncadd.s32 @!p2 $0xFFFFE000  }
0x7b: {  	s8 =	sand.u32 @p1 $0x1FFFFFF0, s8;
	_ =	swait.ge @!p2 [sflag:s11], $0x2000  }
0x7c: {  	s8 =	sadd.s32 @p1 s0, s8;
	[sflag:s11] =	ssyncset.done @!p2 $0x0  }
0x7d: {  	s12 =	simm.s32 @p1 $0x200;
	[sflag:s11] =	ssyncadd.s32 @!p2 $0xFFFFE000;
	s11 =	simm.s32 @p1 $0x0  }
0x7e: {  	[tilespmem:s12], [sflag:$0x3] =	stream.linear.gather @p1 [hbm4b:s8+s11], $0x200, $0x38;
	[tilespmem:$0x12498] =	vst v63  }
0x7f: {  	s8 =	simm.s32 @p1 $0x3  }
0x80: {  	_ =	swait.ge @p1 [sflag:s8], $0x200  }
0x81: {  	[sflag:s8] =	ssyncset.done @p1 $0x0  }
0x82: {  	s11 =	simm.s32 @p1 $0x8400;
	[sflag:s8] =	ssyncadd.s32 @p1 $0xFFFFFE00;
	s8 =	simm.s32 @p1 $0x80  }
0x83: {  	[tilespmem:s11], [sflag:$0x2] =	stream.indirect.gather @p1 [hbm4b:s3+s8], $0x40, s12, s8, $0xb8;
	[tilespmem:$0x12498] =	vst v63  }
0x84: {  	s11 =	simm.s32 @p1 $0x280;
	s12 =	simm.s32 @p1 $0xA400  }
0x85: {  	[tilespmem:s12], [sflag:$0x2] =	stream.indirect.gather @p1 [hbm4b:s3+s8], $0x40, s11, s8, $0xb8;
	[tilespmem:$0x12498] =	vst v63  }
0x86: {  	s11 =	simm.s32 @p1 $0x300;
	s12 =	simm.s32 @p1 $0xC400  }
0x87: {  	[tilespmem:s12], [sflag:$0x2] =	stream.indirect.gather @p1 [hbm4b:s3+s8], $0x40, s11, s8, $0xb8;
	[tilespmem:$0x12498] =	vst v63  }
0x88: {  	s11 =	simm.s32 @p1 $0x380;
	s12 =	simm.s32 @p1 $0xE400  }
0x89: {  	[tilespmem:s12], [sflag:$0x2] =	stream.indirect.gather @p1 [hbm4b:s3+s8], $0x40, s11, s8, $0xb8;
	[tilespmem:$0x12498] =	vst v63  }
0x8a: {  	s8 =	simm.s32 @p1 $0x1  }
0x8b: {  	_ =	swait.ge @p1 [sflag:s8], $0x2000  }
0x8c: {  	[sflag:s8] =	ssyncset.done @p1 $0x0  }
0x8d: {  	[sflag:s8] =	ssyncadd.s32 @p1 $0xFFFFE000  }
0x8e: {  	_ =	swait.ge @p1 [sflag:s8], $0x2000  }
0x8f: {  	[sflag:s8] =	ssyncset.done @p1 $0x0  }
0x90: {  	[sflag:s8] =	ssyncadd.s32 @p1 $0xFFFFE000  }
0x91: {  	p2 =	sne.s32 s7, s5;
	_ =	swait.ge @p1 [sflag:s8], $0x2000  }
.Ltmp2:
0x92: {  	[sflag:s8] =	ssyncset.done @p1 $0x0;
	(pc) =	sbr.rel @!p2 .LBB2_12-.Ltmp2, $4  }
0x93: {  	[sflag:s8] =	ssyncadd.s32 @p1 $0xFFFFE000  }
0x94: {  	s30 =	sadd.s32 $0x1, s7;
	s11 =	sadd.s32 $0x1, s31;
	_ =	swait.ge @p1 [sflag:s8], $0x2000  }
0x95: {  	s6 =	smov.u32 @p0 s13;
	s11 =	smov.u32 @p0 s31;
	[sflag:s8] =	ssyncset.done @p1 $0x0  }
0x96: {  	s7 =	smov.u32 s30;
	s31 =	smov.u32 s11;
	[sflag:s8] =	ssyncadd.s32 @p1 $0xFFFFE000  }
.LBB2_4:
0x97: {  	v5 =	vld [tilespmem:s31+$0x12400]  }
0x98: {  	v6 =	vld [tilespmem:s31+$0x12401];
	_ =	sdelay $0x3  }
0x99: {  	(v2sf) =	vpush v5, $0x0  }
0x9a: {  	(v2sf) =	vpush v6, $0x0;
	_ =	sdelay $0xa  }
0x9b: {  	s8 =	sshll.u32 s6, $0x9  }
0x9c: {  	s8 =	sadd.s32 s29, s8  }
0x9d: {  	s11 =	sadd.s32 $0x200, s8  }
0x9e: {  	s30 =	smov.u32 s9;
	p0 =	slt.s32 s11, s9;
	s12 =	spop (v2sf)  }
0x9f: {  	s13 =	smov.u32 s8;
	s30 =	smov.u32 @p0 s11;
	s11 =	spop (v2sf)  }
0xa0: {  	s14 =	smov.u32 s30;
	p0 =	sgt.s32 s12, s8;
	p1 =	slt.s32 s11, s30  }
0xa1: {  	s13 =	smov.u32 @p0 s12;
	s14 =	smov.u32 @p1 s11  }
0xa2: {  	s25 =	ssub.s32 s13, s8;
	s14 =	ssub.s32 s14, s8  }
0xa3: {  	s13 =	ssub.s32 s14, s25  }
0xa4: {  	s24 =	sshra.s32 s13, $0x1F  }
0xa5: {  	s8 =	sshrl.u32 s24, $0x1E  }
0xa6: {  	s8 =	sadd.s32 s8, s13  }
0xa7: {  	s15 =	sand.u32 $0xFFFFFFFC, s8  }
0xa8: {  	s16 =	sadd.s32 s25, s15  }
0xa9: {  	s26 =	sshll.u32 s31, $0x8;
	p0 =	sge.s32 s25, s16  }
.Ltmp3:
0xaa: {  	s12 =	sshra.s32 s26, $0x2;
	(pc) =	sbr.rel @p0 .LBB2_8-.Ltmp3, $4  }
0xab: {  	v11 =	vld [tilespmem:s12+$0x10400]  }
0xac: {  	v12 =	vld [tilespmem:s12+$0x10410]  }
0xad: {  	v9 =	vld [tilespmem:s12+$0x10420];
	s8 =	sand.u32 $0x1, s6  }
0xae: {  	v10 =	vld [tilespmem:s12+$0x10430];
	s24 =	sshll.u32 s8, $0x11  }
0xaf: {  	s26 =	sshll.u32 s25, $0x8  }
0xb0: {  	s26 =	sadd.s32 s26, s24  }
0xb1: {  	s26 =	sshra.s32 s26, $0x2  }
0xb2: {  	s26 =	sadd.s32 $0x480, s26  }
0xb3: {  	v5 =	vld [tilespmem:s26+$0x40]  }
0xb4: {  	v7 =	vld [tilespmem:s26+$0x50]  }
0xb5: {  	v6 =	vld [tilespmem:s26+$0x0]  }
0xb6: {  	v8 =	vld [tilespmem:s26+$0x10]  }
0xb7: {  	v17 =	vld [tilespmem:s26+$0xFFFFFFC0]  }
0xb8: {  	v18 =	vld [tilespmem:s26+$0xFFFFFFD0]  }
0xb9: {  	v16 =	vld [tilespmem:s26+$0xFFFFFF80]  }
0xba: {  	v19 =	vld [tilespmem:s26+$0xFFFFFF90]  }
0xbb: {  	v20 =	vld [tilespmem:s26+$0xFFFFFFA0]  }
0xbc: {  	s25 =	sadd.s32 $0x4, s25;
	v21 =	vld [tilespmem:s26+$0xFFFFFFB0]  }
0xbd: {  	p0 =	slt.s32 s25, s16;
	v14 =	vld [tilespmem:s26+$0xFFFFFFE0]  }
.Ltmp4:
0xbe: {  	v15 =	vld [tilespmem:s26+$0xFFFFFFF0];
	(pc) =	sbr.rel @!p0 .LBB2_7-.Ltmp4, $4  }
0xbf: {  	v13 =	vld [tilespmem:s26+$0x20]  }
0xc0: {  	v22 =	vadd.f32 v16, v11;
	v19 =	vadd.f32 v19, v12;
	v11 =	vld [tilespmem:s26+$0x30]  }
0xc1: {  	v12 =	vadd.f32 v20, v9;
	v16 =	vadd.f32 v21, v10;
	v9 =	vld [tilespmem:s26+$0x60]  }
0xc2: {  	v10 =	vld [tilespmem:s26+$0x70];
	s26 =	sadd.s32 $0x100, s26;
	v17 =	vadd.f32 v17, v22;
	v18 =	vadd.f32 v18, v19  }
.LBB2_6:
0xc3: {  	v19 =	vld [tilespmem:s26+$0x40];
	v12 =	vadd.f32 v14, v12;
	v14 =	vadd.f32 v15, v16  }
0xc4: {  	v15 =	vld [tilespmem:s26+$0x50];
	v16 =	vadd.f32 v6, v17;
	v17 =	vadd.f32 v8, v18  }
0xc5: {  	v6 =	vld [tilespmem:s26+$0x0];
	v12 =	vadd.f32 v13, v12;
	v11 =	vadd.f32 v11, v14  }
0xc6: {  	v8 =	vld [tilespmem:s26+$0x10];
	v16 =	vadd.f32 v5, v16;
	v17 =	vadd.f32 v7, v17  }
0xc7: {  	v18 =	vld [tilespmem:s26+$0xFFFFFFC0];
	v9 =	vadd.f32 v9, v12;
	v10 =	vadd.f32 v10, v11  }
0xc8: {  	v20 =	vld [tilespmem:s26+$0xFFFFFFD0];
	v5 =	vmov v19  }
0xc9: {  	v11 =	vld [tilespmem:s26+$0xFFFFFF80];
	v7 =	vmov v15  }
0xca: {  	v12 =	vld [tilespmem:s26+$0xFFFFFF90]  }
0xcb: {  	v19 =	vld [tilespmem:s26+$0xFFFFFFA0]  }
0xcc: {  	s25 =	sadd.s32 $0x4, s25;
	v21 =	vld [tilespmem:s26+$0xFFFFFFB0]  }
0xcd: {  	p0 =	slt.s32 s25, s16;
	v14 =	vld [tilespmem:s26+$0xFFFFFFE0]  }
.Ltmp5:
0xce: {  	v15 =	vld [tilespmem:s26+$0xFFFFFFF0];
	(pc) =	sbr.rel @p0 .LBB2_6-.Ltmp5, $4  }
0xcf: {  	v13 =	vld [tilespmem:s26+$0x20]  }
0xd0: {  	v22 =	vadd.f32 v11, v16;
	v23 =	vadd.f32 v12, v17;
	v11 =	vld [tilespmem:s26+$0x30]  }
0xd1: {  	v12 =	vadd.f32 v19, v9;
	v16 =	vadd.f32 v21, v10;
	v9 =	vld [tilespmem:s26+$0x60]  }
0xd2: {  	v17 =	vadd.f32 v18, v22;
	v18 =	vadd.f32 v20, v23;
	v10 =	vld [tilespmem:s26+$0x70];
	s26 =	sadd.s32 $0x100, s26  }
.LBB2_7:
0xd3: {  	v12 =	vadd.f32 v14, v12;
	v14 =	vadd.f32 v15, v16  }
0xd4: {  	v6 =	vadd.f32 v6, v17;
	v8 =	vadd.f32 v8, v18  }
0xd5: {  	v13 =	vadd.f32 v13, v12;
	v14 =	vadd.f32 v11, v14  }
0xd6: {  	v11 =	vadd.f32 v5, v6;
	v12 =	vadd.f32 v7, v8  }
0xd7: {  	v9 =	vadd.f32 v9, v13;
	v10 =	vadd.f32 v10, v14  }
.LBB2_8:
0xd8: {  	p0 =	sge.s32 s16, s14  }
.Ltmp6:
0xd9: {  	_ = 	snop;
	(pc) =	sbr.rel @p0 .LBB2_11-.Ltmp6, $1  }
0xda: {  	_ =	sdelay $0x3  }
0xdb: {  	s14 =	sshll.u32 s16, $0x8  }
0xdc: {  	s14 =	sadd.s32 s14, s24  }
0xdd: {  	s14 =	sshra.s32 s14, $0x2  }
0xde: {  	s13 =	ssub.s32 s13, s15;
	s14 =	sadd.s32 $0x420, s14  }
.LBB2_10:
0xdf: {  	v5 =	vld [tilespmem:s14+$0xFFFFFFE0]  }
0xe0: {  	v6 =	vld [tilespmem:s14+$0xFFFFFFF0]  }
0xe1: {  	v7 =	vld [tilespmem:s14+$0x0]  }
0xe2: {  	v8 =	vld [tilespmem:s14+$0x10];
	p0 =	sne.s32 s13, $0x1  }
.Ltmp7:
0xe3: {  	_ = 	snop;
	(pc) =	sbr.rel @p0 .LBB2_10-.Ltmp7, $3  }
0xe4: {  	_ =	sdelay $0x1  }
0xe5: {  	v11 =	vadd.f32 v5, v11;
	v12 =	vadd.f32 v6, v12  }
0xe6: {  	s14 =	sadd.s32 $0x40, s14;
	s13 =	sadd.s32 $0xFFFFFFFF, s13;
	v9 =	vadd.f32 v7, v9;
	v10 =	vadd.f32 v8, v10  }
.Ltmp8:
0xe7: {  	_ = 	snop;
	(pc) =	sbr.rel .LBB2_11-.Ltmp8, $1  }
0xe8: {  	_ =	sdelay $0x3  }
.LBB2_12:
0xe9: {  	s1 =	sand.u32 $0x1, s17  }
0xea: {  	p0 =	seq.s32 s1, $0x1;
	s1 =	simm.s32 $0x2  }
0xeb: {  	s1 =	simm.s32 @!p0 $0x1  }
0xec: {  	_ =	swait.ge [sflag:s1], $0x2000  }
0xed: {  	[sflag:s1] =	ssyncset.done $0x0  }
0xee: {  	[sflag:s1] =	ssyncadd.s32 $0xFFFFE000  }
0xef: {  	_ =	swait.ge [sflag:s1], $0x2000  }
0xf0: {  	[sflag:s1] =	ssyncset.done $0x0  }
0xf1: {  	[sflag:s1] =	ssyncadd.s32 $0xFFFFE000  }
0xf2: {  	_ =	swait.ge [sflag:s1], $0x2000  }
0xf3: {  	[sflag:s1] =	ssyncset.done $0x0  }
0xf4: {  	[sflag:s1] =	ssyncadd.s32 $0xFFFFE000  }
0xf5: {  	_ =	swait.ge [sflag:s1], $0x2000  }
0xf6: {  	[sflag:s1] =	ssyncset.done $0x0  }
0xf7: {  	s30 =	simm.s32 $0x10420;
	[sflag:s1] =	ssyncadd.s32 $0xFFFFE000  }
0xf8: {  	v7 =	vld [tilespmem:s30+$0xFFFFFFF0]  }
0xf9: {  	v5 =	vld [tilespmem:s30+$0xFFFFFFE0];
	_ =	sdelay $0x1  }
0xfa: {  	v6 =	vld [tilespmem:s30+$0x0];
	_ =	sdelay $0x1  }
0xfb: {  	v8 =	vld [tilespmem:s30+$0x10]  }
0xfc: {  	v9 =	vmul.f32 v5, v5;
	v10 =	vmul.f32 v7, v7;
	_ =	sdelay $0x1  }
0xfd: {  	v9 =	vadd.f32 v10, v9;
	v10 =	vmul.f32 v6, v6;
	_ =	sdelay $0x1  }
0xfe: {  	v9 =	vadd.f32 v10, v9;
	v10 =	vmul.f32 v8, v8;
	_ =	sdelay $0x1  }
0xff: {  	v9 =	vadd.f32 v10, v9;
	_ =	sdelay $0x1  }
0x100: {  	(xrf1) =	vsort.ascd.msk.u32 $0xffff, v0, v9;
	_ =	sdelay $0xd  }
0x101: {  	_, v10, _ =	vpop (xrf1)  }
0x102: {  	v9 =	vadd.f32 v10, v9;
	_ =	sdelay $0x1  }
0x103: {  	(xrf1) =	vsort.ascd.msk.u32 $0xffff, v1, v9;
	_ =	sdelay $0xd  }
0x104: {  	_, v10, _ =	vpop (xrf1)  }
0x105: {  	s26 =	simm.s32 $0x0;
	v9 =	vadd.f32 v10, v9  }
0x106: {  	v10 =	vld [tilespmem:s26+$0x12400]  }
0x107: {  	v11 =	vld [tilespmem:s26+$0x12401];
	(xrf1) =	vsort.ascd.msk.u32 $0xffff, v3, v9;
	_ =	sdelay $0x3  }
0x108: {  	(v2sf) =	vpush v10, $0x0  }
0x109: {  	(v2sf) =	vpush v11, $0x0;
	_ =	sdelay $0x8  }
0x10a: {  	_, v10, _ =	vpop (xrf1)  }
0x10b: {  	v9 =	vadd.f32 v10, v9;
	_ =	sdelay $0x1  }
0x10c: {  	(xrf1) =	vsort.ascd.msk.u32 $0xffff, v4, v9;
	_ =	sdelay $0x1  }
0x10d: {  	s31 =	spop (v2sf)  }
0x10e: {  	s4 =	spop (v2sf)  }
0x10f: {  	s1 =	ssub.s32 s4, s31  }
0x110: {  	p0 =	sgt.s32 s1, $0x1  }
0x111: {  	s1 =	simm.s32 @!p0 $0x1  }
0x112: {  	s1 =	scvt.s32.f32 s1;
	_ =	sdelay $0x1  }
0x113: {  	v10 =	vmov s1  }
0x114: {  	v11 =	vshrl.u32 v10, $0x1;
	v10 =	vmul.f32 $5.000000000e-01, v10  }
0x115: {  	v11 =	vsub.s32 $0x5F3759DF, v11  }
0x116: {  	v12 =	vmul.f32 v11, v10;
	_ =	sdelay $0x1  }
0x117: {  	v12 =	vmul.f32 v11, v12;
	_, v13, _ =	vpop (xrf1)  }
0x118: {  	v9 =	vadd.f32 v13, v9  }
0x119: {  	v12 =	vsub.f32 $1.500000000e+00, v12  }
0x11a: {  	v13 =	vshra.s32 v9, $0x1;
	v14 =	vmul.f32 $5.000000000e-01, v9  }
0x11b: {  	v11 =	vmul.f32 v11, v12;
	v63 =	vsub.s32 $0x5F3759DF, v13  }
0x11c: {  	v13 =	vmul.f32 v63, v14  }
0x11d: {  	v15 =	vmul.f32 v11, v10  }
0x11e: {  	v13 =	vmul.f32 v63, v13  }
0x11f: {  	v15 =	vmul.f32 v15, v11  }
0x120: {  	v13 =	vsub.f32 $1.500000000e+00, v13  }
0x121: {  	v15 =	vsub.f32 $1.500000000e+00, v15  }
0x122: {  	v12 =	vmul.f32 v63, v13  }
0x123: {  	v11 =	vmul.f32 v15, v11  }
0x124: {  	v13 =	vmul.f32 v12, v14  }
0x125: {  	v10 =	vmul.f32 v11, v10  }
0x126: {  	v13 =	vmul.f32 v13, v12  }
0x127: {  	v10 =	vmul.f32 v10, v11  }
0x128: {  	v13 =	vsub.f32 $1.500000000e+00, v13  }
0x129: {  	v10 =	vsub.f32 $1.500000000e+00, v10  }
0x12a: {  	v12 =	vmul.f32 v13, v12  }
0x12b: {  	v10 =	vmul.f32 v10, v11  }
0x12c: {  	v11 =	vmul.f32 v12, v14  }
0x12d: {  	v10 =	vmul.f32 v10, v10  }
0x12e: {  	v11 =	vmul.f32 v11, v12  }
0x12f: {  	v9 =	vmul.f32 v10, v9  }
0x130: {  	v11 =	vsub.f32 $1.500000000e+00, v11  }
0x131: {  	v9 =	vmul.f32 v9, v10  }
0x132: {  	v10 =	vmul.f32 $9.999999950e+11, v10;
	v11 =	vmul.f32 v11, v12  }
0x133: {  	vm0 =	vgt.f32 v9, $1.000000020e-24  }
0x134: {  	v10 =	vsel vm0, v11, v10  }
0x135: {  	v9 =	vmul.f32 v10, v5  }
0x136: {  	s29 =	simm.s32 $0x10460;
	v11 =	vmul.f32 v10, v6  }
0x137: {  	v5 =	vld [tilespmem:s29+$0xFFFFFFF0];
	[tilespmem:s30+$0xFFFFFFE0] =	vst v9;
	v9 =	vmul.f32 v10, v7;
	v7 =	vmul.f32 v10, v8  }
0x138: {  	s4 =	simm.s32 $0x8;
	s1 =	simm.s32 $0x4;
	v6 =	vld [tilespmem:s29+$0xFFFFFFE0];
	[tilespmem:s30+$0x0] =	vst v11  }
.LBB2_13:
0x139: {  	p0 =	sne.s32 s4, $0x1FC;
	[tilespmem:s30+$0x10] =	vst v7  }
0x13a: {  	s5 =	sshra.s32 s1, $0x2;
	s1 =	smov.u32 s4;
	v7 =	vld [tilespmem:s29+$0x0];
	[tilespmem:s30+$0xFFFFFFF0] =	vst v9;
	s30 =	smov.u32 s29  }
0x13b: {  	v9 =	vld [tilespmem:s5+$0x12401]  }
0x13c: {  	v8 =	vld [tilespmem:s29+$0x10]  }
0x13d: {  	v12 =	vmul.f32 v5, v5;
	v10 =	vld [tilespmem:s5+$0x12400];
	v11 =	vmul.f32 v6, v6;
	_ =	sdelay $0x1  }
0x13e: {  	v11 =	vadd.f32 v12, v11;
	v12 =	vmul.f32 v7, v7;
	_ =	sdelay $0x1  }
0x13f: {  	v11 =	vadd.f32 v12, v11;
	v12 =	vmul.f32 v8, v8;
	_ =	sdelay $0x1  }
0x140: {  	v11 =	vadd.f32 v12, v11;
	_ =	sdelay $0x1  }
0x141: {  	(xrf1) =	vsort.ascd.msk.u32 $0xffff, v0, v11;
	_ =	sdelay $0xd  }
0x142: {  	_, v12, _ =	vpop (xrf1)  }
0x143: {  	v11 =	vadd.f32 v12, v11;
	_ =	sdelay $0x1  }
0x144: {  	(xrf1) =	vsort.ascd.msk.u32 $0xffff, v1, v11;
	_ =	sdelay $0xd  }
0x145: {  	_, v12, _ =	vpop (xrf1)  }
0x146: {  	v11 =	vadd.f32 v12, v11;
	_ =	sdelay $0x1  }
0x147: {  	(xrf1) =	vsort.ascd.msk.u32 $0xffff, v3, v11;
	_ =	sdelay $0x3  }
0x148: {  	(v2sf) =	vpush v10, $0x0  }
0x149: {  	(v2sf) =	vpush v9, $0x0;
	_ =	sdelay $0x8  }
0x14a: {  	_, v9, _ =	vpop (xrf1)  }
0x14b: {  	v9 =	vadd.f32 v9, v11;
	_ =	sdelay $0x1  }
0x14c: {  	(xrf1) =	vsort.ascd.msk.u32 $0xffff, v4, v9;
	_ =	sdelay $0x1  }
0x14d: {  	s5 =	spop (v2sf)  }
0x14e: {  	s6 =	spop (v2sf)  }
0x14f: {  	s5 =	ssub.s32 s6, s5  }
0x150: {  	p1 =	sgt.s32 s5, $0x1  }
0x151: {  	s5 =	simm.s32 @!p1 $0x1  }
0x152: {  	s5 =	scvt.s32.f32 s5;
	_ =	sdelay $0x1  }
0x153: {  	v10 =	vmov s5  }
0x154: {  	v11 =	vshrl.u32 v10, $0x1;
	v10 =	vmul.f32 $5.000000000e-01, v10  }
0x155: {  	v11 =	vsub.s32 $0x5F3759DF, v11  }
0x156: {  	v12 =	vmul.f32 v11, v10;
	_ =	sdelay $0x1  }
0x157: {  	v12 =	vmul.f32 v11, v12;
	_, v13, _ =	vpop (xrf1)  }
0x158: {  	v9 =	vadd.f32 v13, v9  }
0x159: {  	v12 =	vsub.f32 $1.500000000e+00, v12  }
0x15a: {  	v13 =	vshra.s32 v9, $0x1;
	v14 =	vmul.f32 $5.000000000e-01, v9  }
0x15b: {  	v11 =	vmul.f32 v11, v12;
	v12 =	vsub.s32 $0x5F3759DF, v13  }
0x15c: {  	v13 =	vmul.f32 v12, v14  }
0x15d: {  	v15 =	vmul.f32 v11, v10  }
0x15e: {  	v13 =	vmul.f32 v12, v13  }
0x15f: {  	v15 =	vmul.f32 v15, v11  }
0x160: {  	v13 =	vsub.f32 $1.500000000e+00, v13  }
0x161: {  	v15 =	vsub.f32 $1.500000000e+00, v15  }
0x162: {  	v12 =	vmul.f32 v12, v13  }
0x163: {  	v11 =	vmul.f32 v15, v11  }
0x164: {  	v13 =	vmul.f32 v12, v14  }
0x165: {  	v10 =	vmul.f32 v11, v10  }
0x166: {  	v13 =	vmul.f32 v13, v12  }
0x167: {  	v10 =	vmul.f32 v10, v11  }
0x168: {  	v13 =	vsub.f32 $1.500000000e+00, v13  }
0x169: {  	v10 =	vsub.f32 $1.500000000e+00, v10  }
0x16a: {  	v12 =	vmul.f32 v13, v12  }
0x16b: {  	v10 =	vmul.f32 v10, v11  }
0x16c: {  	v11 =	vmul.f32 v12, v14  }
0x16d: {  	v10 =	vmul.f32 v10, v10  }
0x16e: {  	v11 =	vmul.f32 v11, v12  }
0x16f: {  	v9 =	vmul.f32 v10, v9  }
0x170: {  	v11 =	vsub.f32 $1.500000000e+00, v11  }
0x171: {  	v9 =	vmul.f32 v9, v10  }
0x172: {  	v10 =	vmul.f32 $9.999999950e+11, v10;
	v11 =	vmul.f32 v11, v12  }
0x173: {  	vm0 =	vgt.f32 v9, $1.000000020e-24  }
.Ltmp9:
0x174: {  	v10 =	vsel vm0, v11, v10;
	(pc) =	sbr.rel @p0 .LBB2_13-.Ltmp9, $4  }
0x175: {  	v6 =	vmul.f32 v10, v6;
	v11 =	vmul.f32 v10, v7  }
0x176: {  	s29 =	sadd.s32 $0x40, s29;
	v9 =	vmul.f32 v10, v5;
	v7 =	vmul.f32 v10, v8  }
0x177: {  	v5 =	vld [tilespmem:s29+$0xFFFFFFF0];
	[tilespmem:s30+$0xFFFFFFE0] =	vst v6  }
0x178: {  	s4 =	sadd.s32 $0x4, s4;
	v6 =	vld [tilespmem:s29+$0xFFFFFFE0];
	[tilespmem:s30+$0x0] =	vst v11  }
0x179: {  	[tilespmem:s30+$0x10] =	vst v7  }
0x17a: {  	v7 =	vld [tilespmem:s29+$0x0]  }
0x17b: {  	[tilespmem:s30+$0xFFFFFFF0] =	vst v9  }
0x17c: {  	v8 =	vld [tilespmem:s29+$0x10]  }
0x17d: {  	v10 =	vmul.f32 v5, v5;
	v53 =	vmul.f32 v6, v6;
	_ =	sdelay $0x1  }
0x17e: {  	v9 =	vadd.f32 v10, v53;
	v54 =	vmul.f32 v7, v7;
	_ =	sdelay $0x1  }
0x17f: {  	v55 =	vmul.f32 v8, v8;
	v9 =	vadd.f32 v54, v9;
	_ =	sdelay $0x1  }
0x180: {  	v9 =	vadd.f32 v55, v9;
	_ =	sdelay $0x1  }
0x181: {  	(xrf1) =	vsort.ascd.msk.u32 $0xffff, v0, v9;
	_ =	sdelay $0xd  }
0x182: {  	_, v56, _ =	vpop (xrf1)  }
0x183: {  	v9 =	vadd.f32 v56, v9;
	_ =	sdelay $0x1  }
0x184: {  	(xrf1) =	vsort.ascd.msk.u32 $0xffff, v1, v9;
	_ =	sdelay $0xd  }
0x185: {  	_, v57, _ =	vpop (xrf1)  }
0x186: {  	s1 =	sshra.s32 s1, $0x2;
	v9 =	vadd.f32 v57, v9  }
0x187: {  	v58 =	vld [tilespmem:s1+$0x12400]  }
0x188: {  	v11 =	vld [tilespmem:s1+$0x12401];
	(xrf1) =	vsort.ascd.msk.u32 $0xffff, v3, v9;
	_ =	sdelay $0x3  }
0x189: {  	(v2sf) =	vpush v58, $0x0  }
0x18a: {  	(v2sf) =	vpush v11, $0x0;
	_ =	sdelay $0x8  }
0x18b: {  	_, v59, _ =	vpop (xrf1)  }
0x18c: {  	v9 =	vadd.f32 v59, v9;
	_ =	sdelay $0x1  }
0x18d: {  	(xrf1) =	vsort.ascd.msk.u32 $0xffff, v4, v9;
	_ =	sdelay $0x1  }
0x18e: {  	s30 =	spop (v2sf)  }
0x18f: {  	s4 =	spop (v2sf)  }
0x190: {  	s1 =	ssub.s32 s4, s30  }
0x191: {  	p0 =	sgt.s32 s1, $0x1  }
0x192: {  	s1 =	simm.s32 @!p0 $0x1  }
0x193: {  	s1 =	scvt.s32.f32 s1;
	_ =	sdelay $0x1  }
0x194: {  	v60 =	vmov s1  }
0x195: {  	v61 =	vshrl.u32 v60, $0x1;
	v10 =	vmul.f32 $5.000000000e-01, v60  }
0x196: {  	v11 =	vsub.s32 $0x5F3759DF, v61  }
0x197: {  	v12 =	vmul.f32 v11, v10;
	_ =	sdelay $0x1  }
0x198: {  	v12 =	vmul.f32 v11, v12;
	_, v13, _ =	vpop (xrf1)  }
0x199: {  	v9 =	vadd.f32 v13, v9  }
0x19a: {  	v12 =	vsub.f32 $1.500000000e+00, v12  }
0x19b: {  	v13 =	vshra.s32 v9, $0x1;
	v14 =	vmul.f32 $5.000000000e-01, v9  }
0x19c: {  	v11 =	vmul.f32 v11, v12;
	v62 =	vsub.s32 $0x5F3759DF, v13  }
0x19d: {  	v13 =	vmul.f32 v62, v14  }
0x19e: {  	v15 =	vmul.f32 v11, v10  }
0x19f: {  	v13 =	vmul.f32 v62, v13  }
0x1a0: {  	v15 =	vmul.f32 v15, v11  }
0x1a1: {  	v13 =	vsub.f32 $1.500000000e+00, v13  }
0x1a2: {  	v15 =	vsub.f32 $1.500000000e+00, v15  }
0x1a3: {  	v12 =	vmul.f32 v62, v13  }
0x1a4: {  	v11 =	vmul.f32 v15, v11  }
0x1a5: {  	v13 =	vmul.f32 v12, v14  }
0x1a6: {  	v10 =	vmul.f32 v11, v10  }
0x1a7: {  	v13 =	vmul.f32 v13, v12  }
0x1a8: {  	v10 =	vmul.f32 v10, v11  }
0x1a9: {  	v13 =	vsub.f32 $1.500000000e+00, v13  }
0x1aa: {  	v10 =	vsub.f32 $1.500000000e+00, v10  }
0x1ab: {  	v12 =	vmul.f32 v13, v12  }
0x1ac: {  	v10 =	vmul.f32 v10, v11  }
0x1ad: {  	v63 =	vmul.f32 v12, v14  }
0x1ae: {  	v10 =	vmul.f32 v10, v10  }
0x1af: {  	v11 =	vmul.f32 v63, v12  }
0x1b0: {  	v9 =	vmul.f32 v10, v9  }
0x1b1: {  	v11 =	vsub.f32 $1.500000000e+00, v11  }
0x1b2: {  	v9 =	vmul.f32 v9, v10  }
0x1b3: {  	v10 =	vmul.f32 $9.999999950e+11, v10;
	v11 =	vmul.f32 v11, v12  }
0x1b4: {  	vm0 =	vgt.f32 v9, $1.000000020e-24  }
0x1b5: {  	v9 =	vsel vm0, v11, v10  }
0x1b6: {  	v6 =	vmul.f32 v9, v6  }
0x1b7: {  	v7 =	vmul.f32 v9, v7  }
0x1b8: {  	v8 =	vmul.f32 v9, v8;
	[tilespmem:s29+$0xFFFFFFE0] =	vst v6  }
0x1b9: {  	s28 =	sadd.s32 $0x1, s28;
	v5 =	vmul.f32 v9, v5;
	[tilespmem:s29+$0x0] =	vst v7  }
0x1ba: {  	p0 =	sne.s32 s28, s20;
	[tilespmem:s29+$0x10] =	vst v8  }
.Ltmp10:
0x1bb: {  	s31 =	simm.s32 $0x10400;
	[tilespmem:s29+$0xFFFFFFF0] =	vst v5;
	(pc) =	sbr.rel @p0 .LBB2_1-.Ltmp10, $4  }
0x1bc: {  	[hbm4b:s19+s2] =	stream.linear.scatter [tilespmem:s31], [sflag:$0x3], $0x2000, $0x38;
	[tilespmem:$0x12498] =	vst v63  }
0x1bd: {  	_ =	swait.ge [sflag:s21], $0x2000  }
0x1be: {  	[sflag:s21] =	ssyncset.done $0x0  }
0x1bf: {  	[sflag:s21] =	ssyncadd.s32 $0xFFFFE000  }
0x1c0: {  	_ =	sfence.sel $0x180000  }
0x1c1: {  	[bflag:$0x0] =	sbarrier.arrive $0xFFFF  }
0x1c2: {  	_ =	strace $0x90000047  }
0x1c3: {  	s0 =	stileid.u32;
	[bflag:$0x2] =	sbarrier.arrive $0xFFFF  }
0x1c4: {  	p0 =	sne.s32 s0, $0x0;
	s0 =	rddreg [dreg:$0x4]  }
0x1c5: {  	s0 =	sadd.s32 @!p0 $0x100000, s0  }
0x1c6: {  	[sflag:s0] =	ssyncadd.tile.s32 @!p0 $0x1;
	_ =	shalt  }
.Lfunc_end2:
_tile_overlayer_lowered:
.L_overlay_start_2:
0x1c7: {  	(tag) =	ssettag $0x2  }
0x1c8: {  	s0 =	rddreg [dreg:$0x0];
	s2 =	stileid.u32  }
0x1c9: {  	s1 =	rddreg [dreg:$0x1];
	p0 =	sne.s32 s2, $0x0  }
0x1ca: {  	s3 =	rddreg [dreg:$0x2];
	[bflag:$0x3] =	sbarrier.arrive $0xFFFF;
	s2 =	simm.s32 @!p0 $0x1C03  }
0x1cb: {  	[timem:s3], [sflag:s2] =	dma.local @!p0 [hbm:s0], s1  }
0x1cc: {  	s0 =	simm.s32 @!p0 $0x3  }
0x1cd: {  	_ =	swait.ge @!p0 [sflag:s0], s1  }
0x1ce: {  	s1 =	ssub.s32 @!p0 $0x0, s1;
	[sflag:s0] =	ssyncset.done @!p0 $0x0  }
0x1cf: {  	[sflag:s0] =	ssyncadd.s32 @!p0 s1  }
0x1d0: {  	[bflag:$0x3] =	sbarrier.arrive $0xFFFF  }
0x1d1: {  	_ =	shalt  }

</sc_bundles>
